<compile_context>
chip_gen: v7x
topology: tpu7x:2x2x1
jax: 0.10.2.dev20260603
libtpu: 0.0.44.dev20260713+nightly
codegen_flags: <defaults>
</compile_context>

<pallas_src>
import functools

import jax
import jax.numpy as jnp
from jax import lax
from jax.experimental import pallas as pl
from jax.experimental.pallas import tpu as pltpu
from jax.experimental.pallas import tpu_sc as plsc

N_NODES = 10000
N_EDGES = 320000
D = 128

NC = 2
NS = 16
NW = NC * NS
CHUNK = 128
N_CHUNKS = N_EDGES // CHUNK
FULL_ROUNDS = N_CHUNKS // NW
TAIL = N_CHUNKS - FULL_ROUNDS * NW
ACC_ROWS = 10112
ROWS_PER_TILE = ACC_ROWS // NS
GRANS = (128, 128, 128, 128, 120)



def _node_pre_body(x_ref, w1_ref, w2_ref, xws_ref, xwd_ref):
    xb = x_ref[...]
    xws_ref[...] = jnp.dot(xb, w1_ref[...], preferred_element_type=jnp.float32)
    xwd_ref[...] = jnp.dot(xb, w2_ref[...], preferred_element_type=jnp.float32)


def _ea_body(ea_in_ref, w3_ref, be_ref, ea_ref):
    ea_ref[...] = (
        jnp.dot(ea_in_ref[...], w3_ref[...], preferred_element_type=jnp.float32)
        + be_ref[...]
    )


def _node_mlp_body(x_ref, p0_ref, p1_ref, w1_ref, w2_ref, bn_ref, out_ref):
    acc = jnp.dot(x_ref[...], w1_ref[...], preferred_element_type=jnp.float32)
    agg = p0_ref[0] + p1_ref[0]
    acc = acc + jnp.dot(agg, w2_ref[...], preferred_element_type=jnp.float32)
    out_ref[...] = jnp.maximum(acc + bn_ref[...], 0.0)



def _sc_edge_body(xws_hbm, xwd_hbm, ea_hbm, idx_hbm,
                  ue_hbm, part_hbm,
                  idx0, idx1,
                  buf0, buf1,
                  acc_sh,
                  se0, si0, sg0, sd0, su0, sa0,
                  se1, si1, sg1, sd1, su1, sa1):
    cid = lax.axis_index("c")
    sid = lax.axis_index("s")
    wid = cid * NS + sid

    def zrow(r, _):
        for c in range(D // 16):
            buf0[r, pl.ds(c * 16, 16)] = jnp.zeros((16,), jnp.float32)
        return 0
    lax.fori_loop(0, CHUNK, zrow, 0)

    o2 = sid * ROWS_PER_TILE
    for g in GRANS:
        pltpu.sync_copy(buf0.at[pl.ds(0, g), :], acc_sh.at[pl.ds(o2, g), :])
        o2 += g
    plsc.subcore_barrier()

    bufs = ((buf0, idx0, se0, si0, sg0, sd0, su0, sa0),
            (buf1, idx1, se1, si1, sg1, sd1, su1, sa1))

    def off_of(t):
        return pl.multiple_of((t * NW + wid) * CHUNK, CHUNK)

    def issue_e(t, b):
        ev, ix, se, si = bufs[b][0], bufs[b][1], bufs[b][2], bufs[b][3]
        pltpu.async_copy(ea_hbm.at[pl.ds(off_of(t), CHUNK), :], ev, se)
        pltpu.async_copy(idx_hbm.at[wid * SLOTS + t], ix, si)

    def wait_e(t, b):
        ev, ix, se, si = bufs[b][0], bufs[b][1], bufs[b][2], bufs[b][3]
        pltpu.make_async_copy(ea_hbm.at[pl.ds(off_of(t), CHUNK), :], ev, se).wait()
        pltpu.make_async_copy(idx_hbm.at[wid * SLOTS + t], ix, si).wait()

    def issue_g(t, b):
        ev, ix, sg, sdm = bufs[b][0], bufs[b][1], bufs[b][4], bufs[b][5]
        pltpu.async_copy(xws_hbm.at[ix.at[0]], ev, sg, add=True)
        pltpu.async_copy(xwd_hbm.at[ix.at[1]], ev, sdm, add=True)

    def wait_g(t, b):
        ev, ix, sg, sdm = bufs[b][0], bufs[b][1], bufs[b][4], bufs[b][5]
        pltpu.make_async_copy(xws_hbm.at[ix.at[0]], ev, sg).wait()
        pltpu.make_async_copy(xwd_hbm.at[ix.at[1]], ev, sdm).wait()

    def compute(b):
        ev = bufs[b][0]

        @plsc.parallel_loop(0, CHUNK)
        def _(r):
            for c in range(D // 16):
                s = pl.ds(c * 16, 16)
                ev[r, s] = jnp.maximum(ev[r, s], 0.0)

    def issue_w(t, b):
        ev, ix, su, sa = bufs[b][0], bufs[b][1], bufs[b][6], bufs[b][7]
        pltpu.async_copy(ev, ue_hbm.at[pl.ds(off_of(t), CHUNK), :], su)
        pltpu.async_copy(ev, acc_sh.at[ix.at[1]], sa, add=True)

    def wait_w(t, b):
        ev, ix, su, sa = bufs[b][0], bufs[b][1], bufs[b][6], bufs[b][7]
        pltpu.make_async_copy(ev, ue_hbm.at[pl.ds(off_of(t), CHUNK), :], su).wait()
        pltpu.make_async_copy(ev, acc_sh.at[ix.at[1]], sa).wait()

    def step(t, k):
        @pl.when(t >= 2)
        def _():
            wait_w(t - 2, k)
        issue_e(t, k)

        @pl.when(t >= 1)
        def _():
            wait_g(t - 1, 1 - k)
            compute(1 - k)
            issue_w(t - 1, 1 - k)
        wait_e(t, k)
        issue_g(t, k)

    def body(u, _):
        step(2 * u, 0)
        step(2 * u + 1, 1)
        return 0
    lax.fori_loop(0, FULL_ROUNDS // 2, body, 0)
    wait_g(FULL_ROUNDS - 1, 1)
    compute(1)
    issue_w(FULL_ROUNDS - 1, 1)
    wait_w(FULL_ROUNDS - 2, 0)
    wait_w(FULL_ROUNDS - 1, 1)

    @pl.when(wid < TAIL)
    def _():
        t = FULL_ROUNDS
        issue_e(t, 0)
        wait_e(t, 0)
        issue_g(t, 0)
        wait_g(t, 0)
        compute(0)
        issue_w(t, 0)
        wait_w(t, 0)

    plsc.subcore_barrier()
    o2 = sid * ROWS_PER_TILE
    for g in GRANS:
        pltpu.sync_copy(acc_sh.at[pl.ds(o2, g), :], buf0.at[pl.ds(0, g), :])
        pltpu.sync_copy(buf0.at[pl.ds(0, g), :],
                        part_hbm.at[cid, pl.ds(o2, g), :])
        o2 += g


SLOTS = 80

_sc_edge_kernel = functools.partial(
    pl.kernel,
    out_type=[
        jax.ShapeDtypeStruct((N_EDGES, D), jnp.float32),
        jax.ShapeDtypeStruct((NC, ACC_ROWS, D), jnp.float32),
    ],
    mesh=plsc.VectorSubcoreMesh(core_axis_name="c", subcore_axis_name="s"),
    scratch_types=[
        pltpu.VMEM((2, CHUNK), jnp.int32),
        pltpu.VMEM((2, CHUNK), jnp.int32),
        pltpu.VMEM((CHUNK, D), jnp.float32),
        pltpu.VMEM((CHUNK, D), jnp.float32),
        pltpu.VMEM_SHARED((ACC_ROWS, D), jnp.float32),
    ] + [pltpu.SemaphoreType.DMA] * 12,
)(_sc_edge_body)



def kernel(x, edge_index, edge_attr, W_e, b_e, W_n, b_n):
    x = x.astype(jnp.float32)
    src = edge_index[0].astype(jnp.int32)
    dst = edge_index[1].astype(jnp.int32)

    we1 = W_e[0:D]
    we2 = W_e[D:2 * D]
    we3 = W_e[2 * D:]
    be2 = b_e.reshape(1, D)
    wn1 = W_n[0:D]
    wn2 = W_n[D:]
    bn2 = b_n.reshape(1, D)

    nb = 2000
    xws, xwd = pl.pallas_call(
        _node_pre_body,
        grid=(N_NODES // nb,),
        in_specs=[
            pl.BlockSpec((nb, D), lambda i: (i, 0)),
            pl.BlockSpec((D, D), lambda i: (0, 0)),
            pl.BlockSpec((D, D), lambda i: (0, 0)),
        ],
        out_specs=[
            pl.BlockSpec((nb, D), lambda i: (i, 0)),
            pl.BlockSpec((nb, D), lambda i: (i, 0)),
        ],
        out_shape=[
            jax.ShapeDtypeStruct((N_NODES, D), jnp.float32),
            jax.ShapeDtypeStruct((N_NODES, D), jnp.float32),
        ],
    )(x, we1, we2)

    eb = 4000
    ea = pl.pallas_call(
        _ea_body,
        grid=(N_EDGES // eb,),
        in_specs=[
            pl.BlockSpec((eb, 16), lambda i: (i, 0)),
            pl.BlockSpec((16, D), lambda i: (0, 0)),
            pl.BlockSpec((1, D), lambda i: (0, 0)),
        ],
        out_specs=pl.BlockSpec((eb, D), lambda i: (i, 0)),
        out_shape=jax.ShapeDtypeStruct((N_EDGES, D), jnp.float32),
    )(edge_attr.astype(jnp.float32), we3, be2)

    pad = jnp.zeros((SLOTS * NW - N_CHUNKS, CHUNK), jnp.int32)
    src_w = jnp.concatenate([src.reshape(N_CHUNKS, CHUNK), pad]) \
        .reshape(SLOTS, NW, CHUNK).transpose(1, 0, 2)
    dst_w = jnp.concatenate([dst.reshape(N_CHUNKS, CHUNK), pad]) \
        .reshape(SLOTS, NW, CHUNK).transpose(1, 0, 2)
    idx_w = jnp.stack([src_w, dst_w], axis=2).reshape(NW * SLOTS, 2, CHUNK)

    updated_edge, partials = _sc_edge_kernel(xws, xwd, ea, idx_w)

    updated_node = pl.pallas_call(
        _node_mlp_body,
        grid=(N_NODES // nb,),
        in_specs=[
            pl.BlockSpec((nb, D), lambda i: (i, 0)),
            pl.BlockSpec((1, nb, D), lambda i: (0, i, 0)),
            pl.BlockSpec((1, nb, D), lambda i: (1, i, 0)),
            pl.BlockSpec((D, D), lambda i: (0, 0)),
            pl.BlockSpec((D, D), lambda i: (0, 0)),
            pl.BlockSpec((1, D), lambda i: (0, 0)),
        ],
        out_specs=pl.BlockSpec((nb, D), lambda i: (i, 0)),
        out_shape=jax.ShapeDtypeStruct((N_NODES, D), jnp.float32),
    )(x, partials, partials, wn1, wn2, bn2)

    return (updated_node, updated_edge)

# --- scband reference (transcript-rebuilt; emitter-appended) ---
"""Pipeline reference for scband-interaction-network-28656021799343 (READ-ONLY COPY).

The authoritative reference and input builder live on the scoring server;
editing this copy changes nothing except your own understanding.
"""

import jax, jax.numpy as jnp
import numpy as np

N_NODES = 10000
N_EDGES = 320000
D_FEAT = 128
D_EDGE = 16
EDGE_IN = 2 * D_FEAT + D_EDGE  # 272
EDGE_OUT = 128
NODE_IN = D_FEAT + EDGE_OUT    # 256
NODE_OUT = 128


def setup_inputs(seed: int = 0) -> dict:
    key = jax.random.key(seed)
    k_x, k_ei, k_ea, k_we, k_be, k_wn, k_bn = jax.random.split(key, 7)
    x = jax.random.normal(k_x, (N_NODES, D_FEAT), dtype=jnp.float32)
    edge_index = jax.random.randint(k_ei, (2, N_EDGES), 0, N_NODES, dtype=jnp.int64)
    edge_attr = jax.random.normal(k_ea, (N_EDGES, D_EDGE), dtype=jnp.float32)
    W_e = jax.random.normal(k_we, (EDGE_IN, EDGE_OUT), dtype=jnp.float32) * (1.0 / np.sqrt(EDGE_IN))
    b_e = jnp.zeros((EDGE_OUT,), dtype=jnp.float32)
    W_n = jax.random.normal(k_wn, (NODE_IN, NODE_OUT), dtype=jnp.float32) * (1.0 / np.sqrt(NODE_IN))
    b_n = jnp.zeros((NODE_OUT,), dtype=jnp.float32)
    return {"x": x, "edge_index": edge_index, "edge_attr": edge_attr,
            "W_e": W_e, "b_e": b_e, "W_n": W_n, "b_n": b_n}


def reference(x, edge_index, edge_attr, W_e, b_e, W_n, b_n):
    src = edge_index[0]
    dest = edge_index[1]
    # edge update: concat(sender, receiver, edge_attr) -> edge_model (Linear+ReLU)
    edge_input = jnp.concatenate([x[src], x[dest], edge_attr], axis=-1)
    updated_edge = jax.nn.relu(edge_input @ W_e + b_e)
    # aggregate messages at destination nodes via scatter-add (segment_sum)
    num_nodes = x.shape[0]
    aggregated = jax.ops.segment_sum(updated_edge, dest, num_segments=num_nodes)
    # node update: concat(x, aggregated) -> node_model (Linear+ReLU)
    node_input = jnp.concatenate([x, aggregated], axis=-1)
    updated_node = jax.nn.relu(node_input @ W_n + b_n)
    return (updated_node, updated_edge)

if __name__ == "__main__":
    import jax
    _d = setup_inputs()
    print(jax.jit(kernel)(*tuple(_d.values())))

</pallas_src>

<mosaic_0001>
#map = affine_map<(d0, d1) -> (0, 0)>
#map1 = affine_map<(d0, d1) -> (0, 0, 0)>
module attributes {stable_mosaic.version = 14 : i64} {
  func.func @_sc_edge_body(%arg0: i32, %arg1: i32, %arg2: memref<10000x128xf32, #tpu.memory_space<hbm>>, %arg3: memref<10000x128xf32, #tpu.memory_space<hbm>>, %arg4: memref<320000x128xf32, #tpu.memory_space<hbm>>, %arg5: memref<2560x2x128xi32, #tpu.memory_space<hbm>>, %arg6: memref<320000x128xf32, #tpu.memory_space<hbm>>, %arg7: memref<2x10112x128xf32, #tpu.memory_space<hbm>>, %arg8: memref<2x128xi32, #tpu.memory_space<vmem>>, %arg9: memref<2x128xi32, #tpu.memory_space<vmem>>, %arg10: memref<128x128xf32, #tpu.memory_space<vmem>>, %arg11: memref<128x128xf32, #tpu.memory_space<vmem>>, %arg12: memref<10112x128xf32, #tpu.memory_space<vmem_shared>>, %arg13: memref<!tpu.dma_semaphore, #tpu.memory_space<semaphore_mem>>, %arg14: memref<!tpu.dma_semaphore, #tpu.memory_space<semaphore_mem>>, %arg15: memref<!tpu.dma_semaphore, #tpu.memory_space<semaphore_mem>>, %arg16: memref<!tpu.dma_semaphore, #tpu.memory_space<semaphore_mem>>, %arg17: memref<!tpu.dma_semaphore, #tpu.memory_space<semaphore_mem>>, %arg18: memref<!tpu.dma_semaphore, #tpu.memory_space<semaphore_mem>>, %arg19: memref<!tpu.dma_semaphore, #tpu.memory_space<semaphore_mem>>, %arg20: memref<!tpu.dma_semaphore, #tpu.memory_space<semaphore_mem>>, %arg21: memref<!tpu.dma_semaphore, #tpu.memory_space<semaphore_mem>>, %arg22: memref<!tpu.dma_semaphore, #tpu.memory_space<semaphore_mem>>, %arg23: memref<!tpu.dma_semaphore, #tpu.memory_space<semaphore_mem>>, %arg24: memref<!tpu.dma_semaphore, #tpu.memory_space<semaphore_mem>>) attributes {dimension_semantics = [#tpu.dimension_semantics<core_parallel>, #tpu.dimension_semantics<subcore_parallel>], iteration_bounds = array<i64: 2, 16>, scalar_prefetch = 0 : i64, scratch_operands = 17 : i64, tpu.core_type = #tpu.core_type<sc_vector_subcore>, window_params = [{transform_indices = #map}, {transform_indices = #map}, {transform_indices = #map}, {transform_indices = #map1}, {transform_indices = #map}, {transform_indices = #map1}]} {
    %mul3A = arith.constant 16 : i32
    %mul3A_0 = arith.muli %arg0, %mul3A : i32
    %add3A = arith.addi %mul3A_0, %arg1 : i32
    %scan3A = arith.constant 0 : i32
    %scan3A_1 = arith.constant 0 : i32
    %scan3A_2 = arith.constant 128 : i32
    %scan3A_3 = arith.addi %scan3A_1, %scan3A_2 : i32
    %scan3A_4 = arith.constant 1 : i32
    %scan3A_5 = scf.for %scan3A_102 = %scan3A_1 to %scan3A_3 step %scan3A_4 iter_args(%scan3A_103 = %scan3A) -> (i32)  : i32 {
      %broadcast_in_dim3A = arith.constant 0.000000e+00 : f32
      %broadcast_in_dim3A_104 = vector.broadcast %broadcast_in_dim3A : f32 to vector<16xf32>
      %swap3A = arith.index_cast %scan3A_102 : i32 to index
      %swap3A_105 = arith.constant 0 : index
      %swap3A_106 = tpu.vector_load %arg10[%swap3A, %swap3A_105] {strides = array<i32>} : memref<128x128xf32, #tpu.memory_space<vmem>>, vector<1x16xf32>,
      %swap3A_107 = vector.shape_cast %swap3A_106 : vector<1x16xf32> to vector<16xf32>
      %swap3A_108 = vector.shape_cast %broadcast_in_dim3A_104 : vector<16xf32> to vector<1x16xf32>
      tpu.vector_store %arg10[%swap3A, %swap3A_105], %swap3A_108 {strides = array<i32>} : memref<128x128xf32, #tpu.memory_space<vmem>>, vector<1x16xf32>,
      %broadcast_in_dim3A_109 = arith.constant 0.000000e+00 : f32
      %broadcast_in_dim3A_110 = vector.broadcast %broadcast_in_dim3A_109 : f32 to vector<16xf32>
      %swap3A_111 = arith.index_cast %scan3A_102 : i32 to index
      %swap3A_112 = arith.constant 16 : index
      %swap3A_113 = tpu.vector_load %arg10[%swap3A_111, %swap3A_112] {strides = array<i32>} : memref<128x128xf32, #tpu.memory_space<vmem>>, vector<1x16xf32>,
      %swap3A_114 = vector.shape_cast %swap3A_113 : vector<1x16xf32> to vector<16xf32>
      %swap3A_115 = vector.shape_cast %broadcast_in_dim3A_110 : vector<16xf32> to vector<1x16xf32>
      tpu.vector_store %arg10[%swap3A_111, %swap3A_112], %swap3A_115 {strides = array<i32>} : memref<128x128xf32, #tpu.memory_space<vmem>>, vector<1x16xf32>,
      %broadcast_in_dim3A_116 = arith.constant 0.000000e+00 : f32
      %broadcast_in_dim3A_117 = vector.broadcast %broadcast_in_dim3A_116 : f32 to vector<16xf32>
      %swap3A_118 = arith.index_cast %scan3A_102 : i32 to index
      %swap3A_119 = arith.constant 32 : index
      %swap3A_120 = tpu.vector_load %arg10[%swap3A_118, %swap3A_119] {strides = array<i32>} : memref<128x128xf32, #tpu.memory_space<vmem>>, vector<1x16xf32>,
      %swap3A_121 = vector.shape_cast %swap3A_120 : vector<1x16xf32> to vector<16xf32>
      %swap3A_122 = vector.shape_cast %broadcast_in_dim3A_117 : vector<16xf32> to vector<1x16xf32>
      tpu.vector_store %arg10[%swap3A_118, %swap3A_119], %swap3A_122 {strides = array<i32>} : memref<128x128xf32, #tpu.memory_space<vmem>>, vector<1x16xf32>,
      %broadcast_in_dim3A_123 = arith.constant 0.000000e+00 : f32
      %broadcast_in_dim3A_124 = vector.broadcast %broadcast_in_dim3A_123 : f32 to vector<16xf32>
      %swap3A_125 = arith.index_cast %scan3A_102 : i32 to index
      %swap3A_126 = arith.constant 48 : index
      %swap3A_127 = tpu.vector_load %arg10[%swap3A_125, %swap3A_126] {strides = array<i32>} : memref<128x128xf32, #tpu.memory_space<vmem>>, vector<1x16xf32>,
      %swap3A_128 = vector.shape_cast %swap3A_127 : vector<1x16xf32> to vector<16xf32>
      %swap3A_129 = vector.shape_cast %broadcast_in_dim3A_124 : vector<16xf32> to vector<1x16xf32>
      tpu.vector_store %arg10[%swap3A_125, %swap3A_126], %swap3A_129 {strides = array<i32>} : memref<128x128xf32, #tpu.memory_space<vmem>>, vector<1x16xf32>,
      %broadcast_in_dim3A_130 = arith.constant 0.000000e+00 : f32
      %broadcast_in_dim3A_131 = vector.broadcast %broadcast_in_dim3A_130 : f32 to vector<16xf32>
      %swap3A_132 = arith.index_cast %scan3A_102 : i32 to index
      %swap3A_133 = arith.constant 64 : index
      %swap3A_134 = tpu.vector_load %arg10[%swap3A_132, %swap3A_133] {strides = array<i32>} : memref<128x128xf32, #tpu.memory_space<vmem>>, vector<1x16xf32>,
      %swap3A_135 = vector.shape_cast %swap3A_134 : vector<1x16xf32> to vector<16xf32>
      %swap3A_136 = vector.shape_cast %broadcast_in_dim3A_131 : vector<16xf32> to vector<1x16xf32>
      tpu.vector_store %arg10[%swap3A_132, %swap3A_133], %swap3A_136 {strides = array<i32>} : memref<128x128xf32, #tpu.memory_space<vmem>>, vector<1x16xf32>,
      %broadcast_in_dim3A_137 = arith.constant 0.000000e+00 : f32
      %broadcast_in_dim3A_138 = vector.broadcast %broadcast_in_dim3A_137 : f32 to vector<16xf32>
      %swap3A_139 = arith.index_cast %scan3A_102 : i32 to index
      %swap3A_140 = arith.constant 80 : index
      %swap3A_141 = tpu.vector_load %arg10[%swap3A_139, %swap3A_140] {strides = array<i32>} : memref<128x128xf32, #tpu.memory_space<vmem>>, vector<1x16xf32>,
      %swap3A_142 = vector.shape_cast %swap3A_141 : vector<1x16xf32> to vector<16xf32>
      %swap3A_143 = vector.shape_cast %broadcast_in_dim3A_138 : vector<16xf32> to vector<1x16xf32>
      tpu.vector_store %arg10[%swap3A_139, %swap3A_140], %swap3A_143 {strides = array<i32>} : memref<128x128xf32, #tpu.memory_space<vmem>>, vector<1x16xf32>,
      %broadcast_in_dim3A_144 = arith.constant 0.000000e+00 : f32
      %broadcast_in_dim3A_145 = vector.broadcast %broadcast_in_dim3A_144 : f32 to vector<16xf32>
      %swap3A_146 = arith.index_cast %scan3A_102 : i32 to index
      %swap3A_147 = arith.constant 96 : index
      %swap3A_148 = tpu.vector_load %arg10[%swap3A_146, %swap3A_147] {strides = array<i32>} : memref<128x128xf32, #tpu.memory_space<vmem>>, vector<1x16xf32>,
      %swap3A_149 = vector.shape_cast %swap3A_148 : vector<1x16xf32> to vector<16xf32>
      %swap3A_150 = vector.shape_cast %broadcast_in_dim3A_145 : vector<16xf32> to vector<1x16xf32>
      tpu.vector_store %arg10[%swap3A_146, %swap3A_147], %swap3A_150 {strides = array<i32>} : memref<128x128xf32, #tpu.memory_space<vmem>>, vector<1x16xf32>,
      %broadcast_in_dim3A_151 = arith.constant 0.000000e+00 : f32
      %broadcast_in_dim3A_152 = vector.broadcast %broadcast_in_dim3A_151 : f32 to vector<16xf32>
      %swap3A_153 = arith.index_cast %scan3A_102 : i32 to index
      %swap3A_154 = arith.constant 112 : index
      %swap3A_155 = tpu.vector_load %arg10[%swap3A_153, %swap3A_154] {strides = array<i32>} : memref<128x128xf32, #tpu.memory_space<vmem>>, vector<1x16xf32>,
      %swap3A_156 = vector.shape_cast %swap3A_155 : vector<1x16xf32> to vector<16xf32>
      %swap3A_157 = vector.shape_cast %broadcast_in_dim3A_152 : vector<16xf32> to vector<1x16xf32>
      tpu.vector_store %arg10[%swap3A_153, %swap3A_154], %swap3A_157 {strides = array<i32>} : memref<128x128xf32, #tpu.memory_space<vmem>>, vector<1x16xf32>,
      %scan3A_158 = arith.constant 0 : i32
      scf.yield %scan3A_158 : i32
    }
    %scan3A_6 = arith.constant 128 : i32
    %mul3A_7 = arith.constant 632 : i32
    %mul3A_8 = arith.muli %arg1, %mul3A_7 : i32
    "tpu.region"() ({
      %run_scoped3A = tpu.sem_alloc : memref<!tpu.dma_semaphore, #tpu.memory_space<semaphore_mem>>
      %dma_start3A_102 = arith.constant 0 : i32
      %dma_start3A_103 = arith.constant 0 : i32
      %dma_start3A_104 = tpu.memref_slice %arg10[%dma_start3A_102, %dma_start3A_103] : memref<128x128xf32, #tpu.memory_space<vmem>> -> memref<128x128xf32, #tpu.memory_space<vmem>>
      %dma_start3A_105 = arith.constant 0 : i32
      %dma_start3A_106 = tpu.memref_slice %arg12[%mul3A_8, %dma_start3A_105] : memref<10112x128xf32, #tpu.memory_space<vmem_shared>> -> memref<128x128xf32, #tpu.memory_space<vmem_shared>>
      %dma_start3A_107 = arith.constant 0 : i32
      %dma_start3A_108 = tpu.memref_slice %arg12[%mul3A_8, %dma_start3A_107] : memref<10112x128xf32, #tpu.memory_space<vmem_shared>> -> memref<128x128xf32, #tpu.memory_space<vmem_shared>>
      %dma_start3A_109 = arith.constant 0 : i32
      %dma_start3A_110 = arith.constant 0 : i32
      %dma_start3A_111 = tpu.memref_slice %arg10[%dma_start3A_109, %dma_start3A_110] : memref<128x128xf32, #tpu.memory_space<vmem>> -> memref<128x128xf32, #tpu.memory_space<vmem>>
      tpu.enqueue_dma source(%dma_start3A_111 : memref<128x128xf32, #tpu.memory_space<vmem>>) target(%dma_start3A_108 : memref<128x128xf32, #tpu.memory_space<vmem_shared>>) target_semaphore(%run_scoped3A : memref<!tpu.dma_semaphore, #tpu.memory_space<semaphore_mem>>)
      %dma_wait3A_112 = arith.constant 0 : i32
      %dma_wait3A_113 = arith.constant 0 : i32
      %dma_wait3A_114 = tpu.memref_slice %arg10[%dma_wait3A_112, %dma_wait3A_113] : memref<128x128xf32, #tpu.memory_space<vmem>> -> memref<128x128xf32, #tpu.memory_space<vmem>>
      %dma_wait3A_115 = arith.constant 0 : i32
      %dma_wait3A_116 = tpu.memref_slice %arg12[%mul3A_8, %dma_wait3A_115] : memref<10112x128xf32, #tpu.memory_space<vmem_shared>> -> memref<128x128xf32, #tpu.memory_space<vmem_shared>>
      %dma_wait3A_117 = arith.constant 0 : i32
      %dma_wait3A_118 = tpu.memref_slice %arg12[%mul3A_8, %dma_wait3A_117] : memref<10112x128xf32, #tpu.memory_space<vmem_shared>> -> memref<128x128xf32, #tpu.memory_space<vmem_shared>>
      %dma_wait3A_119 = arith.constant 0 : i32
      %dma_wait3A_120 = arith.constant 0 : i32
      %dma_wait3A_121 = tpu.memref_slice %arg10[%dma_wait3A_119, %dma_wait3A_120] : memref<128x128xf32, #tpu.memory_space<vmem>> -> memref<128x128xf32, #tpu.memory_space<vmem>>
      tpu.wait_dma2 semaphore(%run_scoped3A : memref<!tpu.dma_semaphore, #tpu.memory_space<semaphore_mem>>) src(%dma_wait3A_121 : memref<128x128xf32, #tpu.memory_space<vmem>>) dst(%dma_wait3A_118 : memref<128x128xf32, #tpu.memory_space<vmem_shared>>)
      tpu.yield
    }) : () -> ()
    %add3A_9 = arith.constant 128 : i32
    %add3A_10 = arith.addi %mul3A_8, %add3A_9 : i32
    "tpu.region"() ({
      %run_scoped3A = tpu.sem_alloc : memref<!tpu.dma_semaphore, #tpu.memory_space<semaphore_mem>>
      %dma_start3A_102 = arith.constant 0 : i32
      %dma_start3A_103 = arith.constant 0 : i32
      %dma_start3A_104 = tpu.memref_slice %arg10[%dma_start3A_102, %dma_start3A_103] : memref<128x128xf32, #tpu.memory_space<vmem>> -> memref<128x128xf32, #tpu.memory_space<vmem>>
      %dma_start3A_105 = arith.constant 0 : i32
      %dma_start3A_106 = tpu.memref_slice %arg12[%add3A_10, %dma_start3A_105] : memref<10112x128xf32, #tpu.memory_space<vmem_shared>> -> memref<128x128xf32, #tpu.memory_space<vmem_shared>>
      %dma_start3A_107 = arith.constant 0 : i32
      %dma_start3A_108 = tpu.memref_slice %arg12[%add3A_10, %dma_start3A_107] : memref<10112x128xf32, #tpu.memory_space<vmem_shared>> -> memref<128x128xf32, #tpu.memory_space<vmem_shared>>
      %dma_start3A_109 = arith.constant 0 : i32
      %dma_start3A_110 = arith.constant 0 : i32
      %dma_start3A_111 = tpu.memref_slice %arg10[%dma_start3A_109, %dma_start3A_110] : memref<128x128xf32, #tpu.memory_space<vmem>> -> memref<128x128xf32, #tpu.memory_space<vmem>>
      tpu.enqueue_dma source(%dma_start3A_111 : memref<128x128xf32, #tpu.memory_space<vmem>>) target(%dma_start3A_108 : memref<128x128xf32, #tpu.memory_space<vmem_shared>>) target_semaphore(%run_scoped3A : memref<!tpu.dma_semaphore, #tpu.memory_space<semaphore_mem>>)
      %dma_wait3A_112 = arith.constant 0 : i32
      %dma_wait3A_113 = arith.constant 0 : i32
      %dma_wait3A_114 = tpu.memref_slice %arg10[%dma_wait3A_112, %dma_wait3A_113] : memref<128x128xf32, #tpu.memory_space<vmem>> -> memref<128x128xf32, #tpu.memory_space<vmem>>
      %dma_wait3A_115 = arith.constant 0 : i32
      %dma_wait3A_116 = tpu.memref_slice %arg12[%add3A_10, %dma_wait3A_115] : memref<10112x128xf32, #tpu.memory_space<vmem_shared>> -> memref<128x128xf32, #tpu.memory_space<vmem_shared>>
      %dma_wait3A_117 = arith.constant 0 : i32
      %dma_wait3A_118 = tpu.memref_slice %arg12[%add3A_10, %dma_wait3A_117] : memref<10112x128xf32, #tpu.memory_space<vmem_shared>> -> memref<128x128xf32, #tpu.memory_space<vmem_shared>>
      %dma_wait3A_119 = arith.constant 0 : i32
      %dma_wait3A_120 = arith.constant 0 : i32
      %dma_wait3A_121 = tpu.memref_slice %arg10[%dma_wait3A_119, %dma_wait3A_120] : memref<128x128xf32, #tpu.memory_space<vmem>> -> memref<128x128xf32, #tpu.memory_space<vmem>>
      tpu.wait_dma2 semaphore(%run_scoped3A : memref<!tpu.dma_semaphore, #tpu.memory_space<semaphore_mem>>) src(%dma_wait3A_121 : memref<128x128xf32, #tpu.memory_space<vmem>>) dst(%dma_wait3A_118 : memref<128x128xf32, #tpu.memory_space<vmem_shared>>)
      tpu.yield
    }) : () -> ()
    %add3A_11 = arith.constant 128 : i32
    %add3A_12 = arith.addi %add3A_10, %add3A_11 : i32
    "tpu.region"() ({
      %run_scoped3A = tpu.sem_alloc : memref<!tpu.dma_semaphore, #tpu.memory_space<semaphore_mem>>
      %dma_start3A_102 = arith.constant 0 : i32
      %dma_start3A_103 = arith.constant 0 : i32
      %dma_start3A_104 = tpu.memref_slice %arg10[%dma_start3A_102, %dma_start3A_103] : memref<128x128xf32, #tpu.memory_space<vmem>> -> memref<128x128xf32, #tpu.memory_space<vmem>>
      %dma_start3A_105 = arith.constant 0 : i32
      %dma_start3A_106 = tpu.memref_slice %arg12[%add3A_12, %dma_start3A_105] : memref<10112x128xf32, #tpu.memory_space<vmem_shared>> -> memref<128x128xf32, #tpu.memory_space<vmem_shared>>
      %dma_start3A_107 = arith.constant 0 : i32
      %dma_start3A_108 = tpu.memref_slice %arg12[%add3A_12, %dma_start3A_107] : memref<10112x128xf32, #tpu.memory_space<vmem_shared>> -> memref<128x128xf32, #tpu.memory_space<vmem_shared>>
      %dma_start3A_109 = arith.constant 0 : i32
      %dma_start3A_110 = arith.constant 0 : i32
      %dma_start3A_111 = tpu.memref_slice %arg10[%dma_start3A_109, %dma_start3A_110] : memref<128x128xf32, #tpu.memory_space<vmem>> -> memref<128x128xf32, #tpu.memory_space<vmem>>
      tpu.enqueue_dma source(%dma_start3A_111 : memref<128x128xf32, #tpu.memory_space<vmem>>) target(%dma_start3A_108 : memref<128x128xf32, #tpu.memory_space<vmem_shared>>) target_semaphore(%run_scoped3A : memref<!tpu.dma_semaphore, #tpu.memory_space<semaphore_mem>>)
      %dma_wait3A_112 = arith.constant 0 : i32
      %dma_wait3A_113 = arith.constant 0 : i32
      %dma_wait3A_114 = tpu.memref_slice %arg10[%dma_wait3A_112, %dma_wait3A_113] : memref<128x128xf32, #tpu.memory_space<vmem>> -> memref<128x128xf32, #tpu.memory_space<vmem>>
      %dma_wait3A_115 = arith.constant 0 : i32
      %dma_wait3A_116 = tpu.memref_slice %arg12[%add3A_12, %dma_wait3A_115] : memref<10112x128xf32, #tpu.memory_space<vmem_shared>> -> memref<128x128xf32, #tpu.memory_space<vmem_shared>>
      %dma_wait3A_117 = arith.constant 0 : i32
      %dma_wait3A_118 = tpu.memref_slice %arg12[%add3A_12, %dma_wait3A_117] : memref<10112x128xf32, #tpu.memory_space<vmem_shared>> -> memref<128x128xf32, #tpu.memory_space<vmem_shared>>
      %dma_wait3A_119 = arith.constant 0 : i32
      %dma_wait3A_120 = arith.constant 0 : i32
      %dma_wait3A_121 = tpu.memref_slice %arg10[%dma_wait3A_119, %dma_wait3A_120] : memref<128x128xf32, #tpu.memory_space<vmem>> -> memref<128x128xf32, #tpu.memory_space<vmem>>
      tpu.wait_dma2 semaphore(%run_scoped3A : memref<!tpu.dma_semaphore, #tpu.memory_space<semaphore_mem>>) src(%dma_wait3A_121 : memref<128x128xf32, #tpu.memory_space<vmem>>) dst(%dma_wait3A_118 : memref<128x128xf32, #tpu.memory_space<vmem_shared>>)
      tpu.yield
    }) : () -> ()
    %add3A_13 = arith.constant 128 : i32
    %add3A_14 = arith.addi %add3A_12, %add3A_13 : i32
    "tpu.region"() ({
      %run_scoped3A = tpu.sem_alloc : memref<!tpu.dma_semaphore, #tpu.memory_space<semaphore_mem>>
      %dma_start3A_102 = arith.constant 0 : i32
      %dma_start3A_103 = arith.constant 0 : i32
      %dma_start3A_104 = tpu.memref_slice %arg10[%dma_start3A_102, %dma_start3A_103] : memref<128x128xf32, #tpu.memory_space<vmem>> -> memref<128x128xf32, #tpu.memory_space<vmem>>
      %dma_start3A_105 = arith.constant 0 : i32
      %dma_start3A_106 = tpu.memref_slice %arg12[%add3A_14, %dma_start3A_105] : memref<10112x128xf32, #tpu.memory_space<vmem_shared>> -> memref<128x128xf32, #tpu.memory_space<vmem_shared>>
      %dma_start3A_107 = arith.constant 0 : i32
      %dma_start3A_108 = tpu.memref_slice %arg12[%add3A_14, %dma_start3A_107] : memref<10112x128xf32, #tpu.memory_space<vmem_shared>> -> memref<128x128xf32, #tpu.memory_space<vmem_shared>>
      %dma_start3A_109 = arith.constant 0 : i32
      %dma_start3A_110 = arith.constant 0 : i32
      %dma_start3A_111 = tpu.memref_slice %arg10[%dma_start3A_109, %dma_start3A_110] : memref<128x128xf32, #tpu.memory_space<vmem>> -> memref<128x128xf32, #tpu.memory_space<vmem>>
      tpu.enqueue_dma source(%dma_start3A_111 : memref<128x128xf32, #tpu.memory_space<vmem>>) target(%dma_start3A_108 : memref<128x128xf32, #tpu.memory_space<vmem_shared>>) target_semaphore(%run_scoped3A : memref<!tpu.dma_semaphore, #tpu.memory_space<semaphore_mem>>)
      %dma_wait3A_112 = arith.constant 0 : i32
      %dma_wait3A_113 = arith.constant 0 : i32
      %dma_wait3A_114 = tpu.memref_slice %arg10[%dma_wait3A_112, %dma_wait3A_113] : memref<128x128xf32, #tpu.memory_space<vmem>> -> memref<128x128xf32, #tpu.memory_space<vmem>>
      %dma_wait3A_115 = arith.constant 0 : i32
      %dma_wait3A_116 = tpu.memref_slice %arg12[%add3A_14, %dma_wait3A_115] : memref<10112x128xf32, #tpu.memory_space<vmem_shared>> -> memref<128x128xf32, #tpu.memory_space<vmem_shared>>
      %dma_wait3A_117 = arith.constant 0 : i32
      %dma_wait3A_118 = tpu.memref_slice %arg12[%add3A_14, %dma_wait3A_117] : memref<10112x128xf32, #tpu.memory_space<vmem_shared>> -> memref<128x128xf32, #tpu.memory_space<vmem_shared>>
      %dma_wait3A_119 = arith.constant 0 : i32
      %dma_wait3A_120 = arith.constant 0 : i32
      %dma_wait3A_121 = tpu.memref_slice %arg10[%dma_wait3A_119, %dma_wait3A_120] : memref<128x128xf32, #tpu.memory_space<vmem>> -> memref<128x128xf32, #tpu.memory_space<vmem>>
      tpu.wait_dma2 semaphore(%run_scoped3A : memref<!tpu.dma_semaphore, #tpu.memory_space<semaphore_mem>>) src(%dma_wait3A_121 : memref<128x128xf32, #tpu.memory_space<vmem>>) dst(%dma_wait3A_118 : memref<128x128xf32, #tpu.memory_space<vmem_shared>>)
      tpu.yield
    }) : () -> ()
    %add3A_15 = arith.constant 128 : i32
    %add3A_16 = arith.addi %add3A_14, %add3A_15 : i32
    "tpu.region"() ({
      %run_scoped3A = tpu.sem_alloc : memref<!tpu.dma_semaphore, #tpu.memory_space<semaphore_mem>>
      %dma_start3A_102 = arith.constant 0 : i32
      %dma_start3A_103 = arith.constant 0 : i32
      %dma_start3A_104 = tpu.memref_slice %arg10[%dma_start3A_102, %dma_start3A_103] : memref<128x128xf32, #tpu.memory_space<vmem>> -> memref<120x128xf32, #tpu.memory_space<vmem>>
      %dma_start3A_105 = arith.constant 0 : i32
      %dma_start3A_106 = tpu.memref_slice %arg12[%add3A_16, %dma_start3A_105] : memref<10112x128xf32, #tpu.memory_space<vmem_shared>> -> memref<120x128xf32, #tpu.memory_space<vmem_shared>>
      %dma_start3A_107 = arith.constant 0 : i32
      %dma_start3A_108 = tpu.memref_slice %arg12[%add3A_16, %dma_start3A_107] : memref<10112x128xf32, #tpu.memory_space<vmem_shared>> -> memref<120x128xf32, #tpu.memory_space<vmem_shared>>
      %dma_start3A_109 = arith.constant 0 : i32
      %dma_start3A_110 = arith.constant 0 : i32
      %dma_start3A_111 = tpu.memref_slice %arg10[%dma_start3A_109, %dma_start3A_110] : memref<128x128xf32, #tpu.memory_space<vmem>> -> memref<120x128xf32, #tpu.memory_space<vmem>>
      tpu.enqueue_dma source(%dma_start3A_111 : memref<120x128xf32, #tpu.memory_space<vmem>>) target(%dma_start3A_108 : memref<120x128xf32, #tpu.memory_space<vmem_shared>>) target_semaphore(%run_scoped3A : memref<!tpu.dma_semaphore, #tpu.memory_space<semaphore_mem>>)
      %dma_wait3A_112 = arith.constant 0 : i32
      %dma_wait3A_113 = arith.constant 0 : i32
      %dma_wait3A_114 = tpu.memref_slice %arg10[%dma_wait3A_112, %dma_wait3A_113] : memref<128x128xf32, #tpu.memory_space<vmem>> -> memref<120x128xf32, #tpu.memory_space<vmem>>
      %dma_wait3A_115 = arith.constant 0 : i32
      %dma_wait3A_116 = tpu.memref_slice %arg12[%add3A_16, %dma_wait3A_115] : memref<10112x128xf32, #tpu.memory_space<vmem_shared>> -> memref<120x128xf32, #tpu.memory_space<vmem_shared>>
      %dma_wait3A_117 = arith.constant 0 : i32
      %dma_wait3A_118 = tpu.memref_slice %arg12[%add3A_16, %dma_wait3A_117] : memref<10112x128xf32, #tpu.memory_space<vmem_shared>> -> memref<120x128xf32, #tpu.memory_space<vmem_shared>>
      %dma_wait3A_119 = arith.constant 0 : i32
      %dma_wait3A_120 = arith.constant 0 : i32
      %dma_wait3A_121 = tpu.memref_slice %arg10[%dma_wait3A_119, %dma_wait3A_120] : memref<128x128xf32, #tpu.memory_space<vmem>> -> memref<120x128xf32, #tpu.memory_space<vmem>>
      tpu.wait_dma2 semaphore(%run_scoped3A : memref<!tpu.dma_semaphore, #tpu.memory_space<semaphore_mem>>) src(%dma_wait3A_121 : memref<120x128xf32, #tpu.memory_space<vmem>>) dst(%dma_wait3A_118 : memref<120x128xf32, #tpu.memory_space<vmem_shared>>)
      tpu.yield
    }) : () -> ()
    %add3A_17 = arith.constant 120 : i32
    %add3A_18 = arith.addi %add3A_16, %add3A_17 : i32
    %barrier3A = arith.constant 0 : index
    tpu.barrier barrier_id(%barrier3A)
    %scan3A_19 = arith.constant 0 : i32
    %scan3A_20 = arith.constant 0 : i32
    %scan3A_21 = arith.constant 39 : i32
    %scan3A_22 = arith.addi %scan3A_20, %scan3A_21 : i32
    %scan3A_23 = arith.constant 1 : i32
    %scan3A_24 = scf.for %scan3A_102 = %scan3A_20 to %scan3A_22 step %scan3A_23 iter_args(%scan3A_103 = %scan3A_19) -> (i32)  : i32 {
      %mul3A_104 = arith.constant 2 : i32
      %mul3A_105 = arith.muli %mul3A_104, %scan3A_102 : i32
      %ge3A = arith.constant 2 : i32
      %ge3A_106 = arith.cmpi sge, %mul3A_105, %ge3A : i32
      %convert_element_type3A_107 = arith.extui %ge3A_106 : i1 to i32
      %cond3A_108 = arith.constant 0 : i32
      %cond3A_109 = arith.cmpi ne, %convert_element_type3A_107, %cond3A_108 : i32
      scf.if %cond3A_109 {
        %sub3A = arith.constant 2 : i32
        %sub3A_242 = arith.subi %mul3A_105, %sub3A : i32
        %mul3A_243 = arith.constant 32 : i32
        %mul3A_244 = arith.muli %sub3A_242, %mul3A_243 : i32
        %add3A_245 = arith.addi %mul3A_244, %add3A : i32
        %mul3A_246 = arith.constant 128 : i32
        %mul3A_247 = arith.muli %add3A_245, %mul3A_246 : i32
        %multiple_of3A_248 = tpu.assume_multiple %mul3A_247, 128 : i32
        %dma_wait3A_249 = arith.constant 0 : i32
        %dma_wait3A_250 = tpu.memref_slice %arg6[%multiple_of3A_248, %dma_wait3A_249] : memref<320000x128xf32, #tpu.memory_space<hbm>> -> memref<128x128xf32, #tpu.memory_space<hbm>>
        %dma_wait3A_251 = arith.constant 0 : i32
        %dma_wait3A_252 = tpu.memref_slice %arg6[%multiple_of3A_248, %dma_wait3A_251] : memref<320000x128xf32, #tpu.memory_space<hbm>> -> memref<128x128xf32, #tpu.memory_space<hbm>>
        tpu.wait_dma2 semaphore(%arg17 : memref<!tpu.dma_semaphore, #tpu.memory_space<semaphore_mem>>) src(%arg10 : memref<128x128xf32, #tpu.memory_space<vmem>>) dst(%dma_wait3A_252 : memref<128x128xf32, #tpu.memory_space<hbm>>)
        %dma_wait3A_253 = arith.constant 1 : i32
        %dma_wait3A_254 = arith.constant 0 : i32
        %dma_wait3A_255 = tpu.memref_slice %arg8[%dma_wait3A_253, %dma_wait3A_254] : memref<2x128xi32, #tpu.memory_space<vmem>> -> memref<1x128xi32, #tpu.memory_space<vmem>>
        %dma_wait3A_256 = tpu.memref_squeeze %dma_wait3A_255 : memref<1x128xi32, #tpu.memory_space<vmem>> -> memref<128xi32, #tpu.memory_space<vmem>>
        %dma_wait3A_257 = arith.constant 0 : i32
        %dma_wait3A_258 = arith.constant 0 : i32
        %dma_wait3A_259 = tpu.memref_slice %arg12[%dma_wait3A_257, %dma_wait3A_258] : memref<10112x128xf32, #tpu.memory_space<vmem_shared>> -> memref<10112x128xf32, #tpu.memory_space<vmem_shared>>
        tpu.wait_indirect_dma semaphore(%arg18 : memref<!tpu.dma_semaphore, #tpu.memory_space<semaphore_mem>>) src(%arg10 : memref<128x128xf32, #tpu.memory_space<vmem>>) dst(%dma_wait3A_259 : memref<10112x128xf32, #tpu.memory_space<vmem_shared>>)
      } else {
      }
      %mul3A_110 = arith.constant 32 : i32
      %mul3A_111 = arith.muli %mul3A_105, %mul3A_110 : i32
      %add3A_112 = arith.addi %mul3A_111, %add3A : i32
      %mul3A_113 = arith.constant 128 : i32
      %mul3A_114 = arith.muli %add3A_112, %mul3A_113 : i32
      %multiple_of3A_115 = tpu.assume_multiple %mul3A_114, 128 : i32
      %dma_start3A_116 = arith.constant 0 : i32
      %dma_start3A_117 = tpu.memref_slice %arg4[%multiple_of3A_115, %dma_start3A_116] : memref<320000x128xf32, #tpu.memory_space<hbm>> -> memref<128x128xf32, #tpu.memory_space<hbm>>
      %dma_start3A_118 = arith.constant 0 : i32
      %dma_start3A_119 = tpu.memref_slice %arg4[%multiple_of3A_115, %dma_start3A_118] : memref<320000x128xf32, #tpu.memory_space<hbm>> -> memref<128x128xf32, #tpu.memory_space<hbm>>
      tpu.enqueue_dma source(%dma_start3A_119 : memref<128x128xf32, #tpu.memory_space<hbm>>) target(%arg10 : memref<128x128xf32, #tpu.memory_space<vmem>>) target_semaphore(%arg13 : memref<!tpu.dma_semaphore, #tpu.memory_space<semaphore_mem>>)
      %mul3A_120 = arith.constant 80 : i32
      %mul3A_121 = arith.muli %add3A, %mul3A_120 : i32
      %add3A_122 = arith.addi %mul3A_121, %mul3A_105 : i32
      %dma_start3A_123 = arith.constant 0 : i32
      %dma_start3A_124 = arith.constant 0 : i32
      %dma_start3A_125 = tpu.memref_slice %arg5[%add3A_122, %dma_start3A_123, %dma_start3A_124] : memref<2560x2x128xi32, #tpu.memory_space<hbm>> -> memref<1x2x128xi32, #tpu.memory_space<hbm>>
      %dma_start3A_126 = tpu.memref_squeeze %dma_start3A_125 : memref<1x2x128xi32, #tpu.memory_space<hbm>> -> memref<2x128xi32, #tpu.memory_space<hbm>>
      %dma_start3A_127 = arith.constant 0 : i32
      %dma_start3A_128 = arith.constant 0 : i32
      %dma_start3A_129 = tpu.memref_slice %arg5[%add3A_122, %dma_start3A_127, %dma_start3A_128] : memref<2560x2x128xi32, #tpu.memory_space<hbm>> -> memref<1x2x128xi32, #tpu.memory_space<hbm>>
      %dma_start3A_130 = tpu.memref_squeeze %dma_start3A_129 : memref<1x2x128xi32, #tpu.memory_space<hbm>> -> memref<2x128xi32, #tpu.memory_space<hbm>>
      tpu.enqueue_dma source(%dma_start3A_130 : memref<2x128xi32, #tpu.memory_space<hbm>>) target(%arg8 : memref<2x128xi32, #tpu.memory_space<vmem>>) target_semaphore(%arg14 : memref<!tpu.dma_semaphore, #tpu.memory_space<semaphore_mem>>)
      %ge3A_131 = arith.constant 1 : i32
      %ge3A_132 = arith.cmpi sge, %mul3A_105, %ge3A_131 : i32
      %convert_element_type3A_133 = arith.extui %ge3A_132 : i1 to i32
      %cond3A_134 = arith.constant 0 : i32
      %cond3A_135 = arith.cmpi ne, %convert_element_type3A_133, %cond3A_134 : i32
      scf.if %cond3A_135 {
        %sub3A = arith.constant 1 : i32
        %sub3A_242 = arith.subi %mul3A_105, %sub3A : i32
        %dma_wait3A_243 = arith.constant 0 : i32
        %dma_wait3A_244 = arith.constant 0 : i32
        %dma_wait3A_245 = tpu.memref_slice %arg9[%dma_wait3A_243, %dma_wait3A_244] : memref<2x128xi32, #tpu.memory_space<vmem>> -> memref<1x128xi32, #tpu.memory_space<vmem>>
        %dma_wait3A_246 = tpu.memref_squeeze %dma_wait3A_245 : memref<1x128xi32, #tpu.memory_space<vmem>> -> memref<128xi32, #tpu.memory_space<vmem>>
        %dma_wait3A_247 = arith.constant 0 : i32
        %dma_wait3A_248 = arith.constant 0 : i32
        %dma_wait3A_249 = tpu.memref_slice %arg2[%dma_wait3A_247, %dma_wait3A_248] : memref<10000x128xf32, #tpu.memory_space<hbm>> -> memref<10000x128xf32, #tpu.memory_space<hbm>>
        tpu.wait_indirect_dma semaphore(%arg21 : memref<!tpu.dma_semaphore, #tpu.memory_space<semaphore_mem>>) src(%dma_wait3A_249 : memref<10000x128xf32, #tpu.memory_space<hbm>>) dst(%arg11 : memref<128x128xf32, #tpu.memory_space<vmem>>)
        %dma_wait3A_250 = arith.constant 1 : i32
        %dma_wait3A_251 = arith.constant 0 : i32
        %dma_wait3A_252 = tpu.memref_slice %arg9[%dma_wait3A_250, %dma_wait3A_251] : memref<2x128xi32, #tpu.memory_space<vmem>> -> memref<1x128xi32, #tpu.memory_space<vmem>>
        %dma_wait3A_253 = tpu.memref_squeeze %dma_wait3A_252 : memref<1x128xi32, #tpu.memory_space<vmem>> -> memref<128xi32, #tpu.memory_space<vmem>>
        %dma_wait3A_254 = arith.constant 0 : i32
        %dma_wait3A_255 = arith.constant 0 : i32
        %dma_wait3A_256 = tpu.memref_slice %arg3[%dma_wait3A_254, %dma_wait3A_255] : memref<10000x128xf32, #tpu.memory_space<hbm>> -> memref<10000x128xf32, #tpu.memory_space<hbm>>
        tpu.wait_indirect_dma semaphore(%arg22 : memref<!tpu.dma_semaphore, #tpu.memory_space<semaphore_mem>>) src(%dma_wait3A_256 : memref<10000x128xf32, #tpu.memory_space<hbm>>) dst(%arg11 : memref<128x128xf32, #tpu.memory_space<vmem>>)
        %parallel_loop3A_257 = arith.constant 0 : i32
        %parallel_loop3A_258 = arith.constant 128 : i32
        %parallel_loop3A_259 = arith.constant 1 : i32
        scf.for %parallel_loop3A_279 = %parallel_loop3A_257 to %parallel_loop3A_258 step %parallel_loop3A_259  : i32 {
          %parallel_loop3A_280 = arith.index_cast %parallel_loop3A_279 : i32 to index
          %parallel_loop3A_281 = arith.constant 0 : index
          %parallel_loop3A_282 = tpu.vector_load %arg11[%parallel_loop3A_280, %parallel_loop3A_281] {strides = array<i32>} : memref<128x128xf32, #tpu.memory_space<vmem>>, vector<1x16xf32>,
          %parallel_loop3A_283 = vector.shape_cast %parallel_loop3A_282 : vector<1x16xf32> to vector<16xf32>
          %parallel_loop3A_284 = arith.constant 0.000000e+00 : f32
          %parallel_loop3A_285 = vector.broadcast %parallel_loop3A_284 : f32 to vector<16xf32>
          %parallel_loop3A_286 = arith.maximumf %parallel_loop3A_283, %parallel_loop3A_285 : vector<16xf32>
          %parallel_loop3A_287 = arith.index_cast %parallel_loop3A_279 : i32 to index
          %parallel_loop3A_288 = arith.constant 0 : index
          %parallel_loop3A_289 = tpu.vector_load %arg11[%parallel_loop3A_287, %parallel_loop3A_288] {strides = array<i32>} : memref<128x128xf32, #tpu.memory_space<vmem>>, vector<1x16xf32>,
          %parallel_loop3A_290 = vector.shape_cast %parallel_loop3A_289 : vector<1x16xf32> to vector<16xf32>
          %parallel_loop3A_291 = vector.shape_cast %parallel_loop3A_286 : vector<16xf32> to vector<1x16xf32>
          tpu.vector_store %arg11[%parallel_loop3A_287, %parallel_loop3A_288], %parallel_loop3A_291 {strides = array<i32>} : memref<128x128xf32, #tpu.memory_space<vmem>>, vector<1x16xf32>,
          %parallel_loop3A_292 = arith.index_cast %parallel_loop3A_279 : i32 to index
          %parallel_loop3A_293 = arith.constant 16 : index
          %parallel_loop3A_294 = tpu.vector_load %arg11[%parallel_loop3A_292, %parallel_loop3A_293] {strides = array<i32>} : memref<128x128xf32, #tpu.memory_space<vmem>>, vector<1x16xf32>,
          %parallel_loop3A_295 = vector.shape_cast %parallel_loop3A_294 : vector<1x16xf32> to vector<16xf32>
          %parallel_loop3A_296 = arith.constant 0.000000e+00 : f32
          %parallel_loop3A_297 = vector.broadcast %parallel_loop3A_296 : f32 to vector<16xf32>
          %parallel_loop3A_298 = arith.maximumf %parallel_loop3A_295, %parallel_loop3A_297 : vector<16xf32>
          %parallel_loop3A_299 = arith.index_cast %parallel_loop3A_279 : i32 to index
          %parallel_loop3A_300 = arith.constant 16 : index
          %parallel_loop3A_301 = tpu.vector_load %arg11[%parallel_loop3A_299, %parallel_loop3A_300] {strides = array<i32>} : memref<128x128xf32, #tpu.memory_space<vmem>>, vector<1x16xf32>,
          %parallel_loop3A_302 = vector.shape_cast %parallel_loop3A_301 : vector<1x16xf32> to vector<16xf32>
          %parallel_loop3A_303 = vector.shape_cast %parallel_loop3A_298 : vector<16xf32> to vector<1x16xf32>
          tpu.vector_store %arg11[%parallel_loop3A_299, %parallel_loop3A_300], %parallel_loop3A_303 {strides = array<i32>} : memref<128x128xf32, #tpu.memory_space<vmem>>, vector<1x16xf32>,
          %parallel_loop3A_304 = arith.index_cast %parallel_loop3A_279 : i32 to index
          %parallel_loop3A_305 = arith.constant 32 : index
          %parallel_loop3A_306 = tpu.vector_load %arg11[%parallel_loop3A_304, %parallel_loop3A_305] {strides = array<i32>} : memref<128x128xf32, #tpu.memory_space<vmem>>, vector<1x16xf32>,
          %parallel_loop3A_307 = vector.shape_cast %parallel_loop3A_306 : vector<1x16xf32> to vector<16xf32>
          %parallel_loop3A_308 = arith.constant 0.000000e+00 : f32
          %parallel_loop3A_309 = vector.broadcast %parallel_loop3A_308 : f32 to vector<16xf32>
          %parallel_loop3A_310 = arith.maximumf %parallel_loop3A_307, %parallel_loop3A_309 : vector<16xf32>
          %parallel_loop3A_311 = arith.index_cast %parallel_loop3A_279 : i32 to index
          %parallel_loop3A_312 = arith.constant 32 : index
          %parallel_loop3A_313 = tpu.vector_load %arg11[%parallel_loop3A_311, %parallel_loop3A_312] {strides = array<i32>} : memref<128x128xf32, #tpu.memory_space<vmem>>, vector<1x16xf32>,
          %parallel_loop3A_314 = vector.shape_cast %parallel_loop3A_313 : vector<1x16xf32> to vector<16xf32>
          %parallel_loop3A_315 = vector.shape_cast %parallel_loop3A_310 : vector<16xf32> to vector<1x16xf32>
          tpu.vector_store %arg11[%parallel_loop3A_311, %parallel_loop3A_312], %parallel_loop3A_315 {strides = array<i32>} : memref<128x128xf32, #tpu.memory_space<vmem>>, vector<1x16xf32>,
          %parallel_loop3A_316 = arith.index_cast %parallel_loop3A_279 : i32 to index
          %parallel_loop3A_317 = arith.constant 48 : index
          %parallel_loop3A_318 = tpu.vector_load %arg11[%parallel_loop3A_316, %parallel_loop3A_317] {strides = array<i32>} : memref<128x128xf32, #tpu.memory_space<vmem>>, vector<1x16xf32>,
          %parallel_loop3A_319 = vector.shape_cast %parallel_loop3A_318 : vector<1x16xf32> to vector<16xf32>
          %parallel_loop3A_320 = arith.constant 0.000000e+00 : f32
          %parallel_loop3A_321 = vector.broadcast %parallel_loop3A_320 : f32 to vector<16xf32>
          %parallel_loop3A_322 = arith.maximumf %parallel_loop3A_319, %parallel_loop3A_321 : vector<16xf32>
          %parallel_loop3A_323 = arith.index_cast %parallel_loop3A_279 : i32 to index
          %parallel_loop3A_324 = arith.constant 48 : index
          %parallel_loop3A_325 = tpu.vector_load %arg11[%parallel_loop3A_323, %parallel_loop3A_324] {strides = array<i32>} : memref<128x128xf32, #tpu.memory_space<vmem>>, vector<1x16xf32>,
          %parallel_loop3A_326 = vector.shape_cast %parallel_loop3A_325 : vector<1x16xf32> to vector<16xf32>
          %parallel_loop3A_327 = vector.shape_cast %parallel_loop3A_322 : vector<16xf32> to vector<1x16xf32>
          tpu.vector_store %arg11[%parallel_loop3A_323, %parallel_loop3A_324], %parallel_loop3A_327 {strides = array<i32>} : memref<128x128xf32, #tpu.memory_space<vmem>>, vector<1x16xf32>,
          %parallel_loop3A_328 = arith.index_cast %parallel_loop3A_279 : i32 to index
          %parallel_loop3A_329 = arith.constant 64 : index
          %parallel_loop3A_330 = tpu.vector_load %arg11[%parallel_loop3A_328, %parallel_loop3A_329] {strides = array<i32>} : memref<128x128xf32, #tpu.memory_space<vmem>>, vector<1x16xf32>,
          %parallel_loop3A_331 = vector.shape_cast %parallel_loop3A_330 : vector<1x16xf32> to vector<16xf32>
          %parallel_loop3A_332 = arith.constant 0.000000e+00 : f32
          %parallel_loop3A_333 = vector.broadcast %parallel_loop3A_332 : f32 to vector<16xf32>
          %parallel_loop3A_334 = arith.maximumf %parallel_loop3A_331, %parallel_loop3A_333 : vector<16xf32>
          %parallel_loop3A_335 = arith.index_cast %parallel_loop3A_279 : i32 to index
          %parallel_loop3A_336 = arith.constant 64 : index
          %parallel_loop3A_337 = tpu.vector_load %arg11[%parallel_loop3A_335, %parallel_loop3A_336] {strides = array<i32>} : memref<128x128xf32, #tpu.memory_space<vmem>>, vector<1x16xf32>,
          %parallel_loop3A_338 = vector.shape_cast %parallel_loop3A_337 : vector<1x16xf32> to vector<16xf32>
          %parallel_loop3A_339 = vector.shape_cast %parallel_loop3A_334 : vector<16xf32> to vector<1x16xf32>
          tpu.vector_store %arg11[%parallel_loop3A_335, %parallel_loop3A_336], %parallel_loop3A_339 {strides = array<i32>} : memref<128x128xf32, #tpu.memory_space<vmem>>, vector<1x16xf32>,
          %parallel_loop3A_340 = arith.index_cast %parallel_loop3A_279 : i32 to index
          %parallel_loop3A_341 = arith.constant 80 : index
          %parallel_loop3A_342 = tpu.vector_load %arg11[%parallel_loop3A_340, %parallel_loop3A_341] {strides = array<i32>} : memref<128x128xf32, #tpu.memory_space<vmem>>, vector<1x16xf32>,
          %parallel_loop3A_343 = vector.shape_cast %parallel_loop3A_342 : vector<1x16xf32> to vector<16xf32>
          %parallel_loop3A_344 = arith.constant 0.000000e+00 : f32
          %parallel_loop3A_345 = vector.broadcast %parallel_loop3A_344 : f32 to vector<16xf32>
          %parallel_loop3A_346 = arith.maximumf %parallel_loop3A_343, %parallel_loop3A_345 : vector<16xf32>
          %parallel_loop3A_347 = arith.index_cast %parallel_loop3A_279 : i32 to index
          %parallel_loop3A_348 = arith.constant 80 : index
          %parallel_loop3A_349 = tpu.vector_load %arg11[%parallel_loop3A_347, %parallel_loop3A_348] {strides = array<i32>} : memref<128x128xf32, #tpu.memory_space<vmem>>, vector<1x16xf32>,
          %parallel_loop3A_350 = vector.shape_cast %parallel_loop3A_349 : vector<1x16xf32> to vector<16xf32>
          %parallel_loop3A_351 = vector.shape_cast %parallel_loop3A_346 : vector<16xf32> to vector<1x16xf32>
          tpu.vector_store %arg11[%parallel_loop3A_347, %parallel_loop3A_348], %parallel_loop3A_351 {strides = array<i32>} : memref<128x128xf32, #tpu.memory_space<vmem>>, vector<1x16xf32>,
          %parallel_loop3A_352 = arith.index_cast %parallel_loop3A_279 : i32 to index
          %parallel_loop3A_353 = arith.constant 96 : index
          %parallel_loop3A_354 = tpu.vector_load %arg11[%parallel_loop3A_352, %parallel_loop3A_353] {strides = array<i32>} : memref<128x128xf32, #tpu.memory_space<vmem>>, vector<1x16xf32>,
          %parallel_loop3A_355 = vector.shape_cast %parallel_loop3A_354 : vector<1x16xf32> to vector<16xf32>
          %parallel_loop3A_356 = arith.constant 0.000000e+00 : f32
          %parallel_loop3A_357 = vector.broadcast %parallel_loop3A_356 : f32 to vector<16xf32>
          %parallel_loop3A_358 = arith.maximumf %parallel_loop3A_355, %parallel_loop3A_357 : vector<16xf32>
          %parallel_loop3A_359 = arith.index_cast %parallel_loop3A_279 : i32 to index
          %parallel_loop3A_360 = arith.constant 96 : index
          %parallel_loop3A_361 = tpu.vector_load %arg11[%parallel_loop3A_359, %parallel_loop3A_360] {strides = array<i32>} : memref<128x128xf32, #tpu.memory_space<vmem>>, vector<1x16xf32>,
          %parallel_loop3A_362 = vector.shape_cast %parallel_loop3A_361 : vector<1x16xf32> to vector<16xf32>
          %parallel_loop3A_363 = vector.shape_cast %parallel_loop3A_358 : vector<16xf32> to vector<1x16xf32>
          tpu.vector_store %arg11[%parallel_loop3A_359, %parallel_loop3A_360], %parallel_loop3A_363 {strides = array<i32>} : memref<128x128xf32, #tpu.memory_space<vmem>>, vector<1x16xf32>,
          %parallel_loop3A_364 = arith.index_cast %parallel_loop3A_279 : i32 to index
          %parallel_loop3A_365 = arith.constant 112 : index
          %parallel_loop3A_366 = tpu.vector_load %arg11[%parallel_loop3A_364, %parallel_loop3A_365] {strides = array<i32>} : memref<128x128xf32, #tpu.memory_space<vmem>>, vector<1x16xf32>,
          %parallel_loop3A_367 = vector.shape_cast %parallel_loop3A_366 : vector<1x16xf32> to vector<16xf32>
          %parallel_loop3A_368 = arith.constant 0.000000e+00 : f32
          %parallel_loop3A_369 = vector.broadcast %parallel_loop3A_368 : f32 to vector<16xf32>
          %parallel_loop3A_370 = arith.maximumf %parallel_loop3A_367, %parallel_loop3A_369 : vector<16xf32>
          %parallel_loop3A_371 = arith.index_cast %parallel_loop3A_279 : i32 to index
          %parallel_loop3A_372 = arith.constant 112 : index
          %parallel_loop3A_373 = tpu.vector_load %arg11[%parallel_loop3A_371, %parallel_loop3A_372] {strides = array<i32>} : memref<128x128xf32, #tpu.memory_space<vmem>>, vector<1x16xf32>,
          %parallel_loop3A_374 = vector.shape_cast %parallel_loop3A_373 : vector<1x16xf32> to vector<16xf32>
          %parallel_loop3A_375 = vector.shape_cast %parallel_loop3A_370 : vector<16xf32> to vector<1x16xf32>
          tpu.vector_store %arg11[%parallel_loop3A_371, %parallel_loop3A_372], %parallel_loop3A_375 {strides = array<i32>} : memref<128x128xf32, #tpu.memory_space<vmem>>, vector<1x16xf32>,
        } {sc.loop_unroll_factor = 1 : i64, sc.parallel_access}
        %sub3A_260 = arith.constant 1 : i32
        %sub3A_261 = arith.subi %mul3A_105, %sub3A_260 : i32
        %mul3A_262 = arith.constant 32 : i32
        %mul3A_263 = arith.muli %sub3A_261, %mul3A_262 : i32
        %add3A_264 = arith.addi %mul3A_263, %add3A : i32
        %mul3A_265 = arith.constant 128 : i32
        %mul3A_266 = arith.muli %add3A_264, %mul3A_265 : i32
        %multiple_of3A_267 = tpu.assume_multiple %mul3A_266, 128 : i32
        %dma_start3A_268 = arith.constant 0 : i32
        %dma_start3A_269 = tpu.memref_slice %arg6[%multiple_of3A_267, %dma_start3A_268] : memref<320000x128xf32, #tpu.memory_space<hbm>> -> memref<128x128xf32, #tpu.memory_space<hbm>>
        %dma_start3A_270 = arith.constant 0 : i32
        %dma_start3A_271 = tpu.memref_slice %arg6[%multiple_of3A_267, %dma_start3A_270] : memref<320000x128xf32, #tpu.memory_space<hbm>> -> memref<128x128xf32, #tpu.memory_space<hbm>>
        tpu.enqueue_dma source(%arg11 : memref<128x128xf32, #tpu.memory_space<vmem>>) target(%dma_start3A_271 : memref<128x128xf32, #tpu.memory_space<hbm>>) target_semaphore(%arg23 : memref<!tpu.dma_semaphore, #tpu.memory_space<semaphore_mem>>)
        %dma_start3A_272 = arith.constant 1 : i32
        %dma_start3A_273 = arith.constant 0 : i32
        %dma_start3A_274 = tpu.memref_slice %arg9[%dma_start3A_272, %dma_start3A_273] : memref<2x128xi32, #tpu.memory_space<vmem>> -> memref<1x128xi32, #tpu.memory_space<vmem>>
        %dma_start3A_275 = tpu.memref_squeeze %dma_start3A_274 : memref<1x128xi32, #tpu.memory_space<vmem>> -> memref<128xi32, #tpu.memory_space<vmem>>
        %dma_start3A_276 = arith.constant 0 : i32
        %dma_start3A_277 = arith.constant 0 : i32
        %dma_start3A_278 = tpu.memref_slice %arg12[%dma_start3A_276, %dma_start3A_277] : memref<10112x128xf32, #tpu.memory_space<vmem_shared>> -> memref<10112x128xf32, #tpu.memory_space<vmem_shared>>
        tpu.enqueue_indirect_dma source(%arg11 : memref<128x128xf32, #tpu.memory_space<vmem>>) target(%dma_start3A_278 : memref<10112x128xf32, #tpu.memory_space<vmem_shared>>) offsets(%dma_start3A_275 : memref<128xi32, #tpu.memory_space<vmem>>) semaphore(%arg24 : memref<!tpu.dma_semaphore, #tpu.memory_space<semaphore_mem>>) {add = true}
      } else {
      }
      %mul3A_136 = arith.constant 32 : i32
      %mul3A_137 = arith.muli %mul3A_105, %mul3A_136 : i32
      %add3A_138 = arith.addi %mul3A_137, %add3A : i32
      %mul3A_139 = arith.constant 128 : i32
      %mul3A_140 = arith.muli %add3A_138, %mul3A_139 : i32
      %multiple_of3A_141 = tpu.assume_multiple %mul3A_140, 128 : i32
      %dma_wait3A_142 = arith.constant 0 : i32
      %dma_wait3A_143 = tpu.memref_slice %arg4[%multiple_of3A_141, %dma_wait3A_142] : memref<320000x128xf32, #tpu.memory_space<hbm>> -> memref<128x128xf32, #tpu.memory_space<hbm>>
      %dma_wait3A_144 = arith.constant 0 : i32
      %dma_wait3A_145 = tpu.memref_slice %arg4[%multiple_of3A_141, %dma_wait3A_144] : memref<320000x128xf32, #tpu.memory_space<hbm>> -> memref<128x128xf32, #tpu.memory_space<hbm>>
      tpu.wait_dma2 semaphore(%arg13 : memref<!tpu.dma_semaphore, #tpu.memory_space<semaphore_mem>>) src(%dma_wait3A_145 : memref<128x128xf32, #tpu.memory_space<hbm>>) dst(%arg10 : memref<128x128xf32, #tpu.memory_space<vmem>>)
      %mul3A_146 = arith.constant 80 : i32
      %mul3A_147 = arith.muli %add3A, %mul3A_146 : i32
      %add3A_148 = arith.addi %mul3A_147, %mul3A_105 : i32
      %dma_wait3A_149 = arith.constant 0 : i32
      %dma_wait3A_150 = arith.constant 0 : i32
      %dma_wait3A_151 = tpu.memref_slice %arg5[%add3A_148, %dma_wait3A_149, %dma_wait3A_150] : memref<2560x2x128xi32, #tpu.memory_space<hbm>> -> memref<1x2x128xi32, #tpu.memory_space<hbm>>
      %dma_wait3A_152 = tpu.memref_squeeze %dma_wait3A_151 : memref<1x2x128xi32, #tpu.memory_space<hbm>> -> memref<2x128xi32, #tpu.memory_space<hbm>>
      %dma_wait3A_153 = arith.constant 0 : i32
      %dma_wait3A_154 = arith.constant 0 : i32
      %dma_wait3A_155 = tpu.memref_slice %arg5[%add3A_148, %dma_wait3A_153, %dma_wait3A_154] : memref<2560x2x128xi32, #tpu.memory_space<hbm>> -> memref<1x2x128xi32, #tpu.memory_space<hbm>>
      %dma_wait3A_156 = tpu.memref_squeeze %dma_wait3A_155 : memref<1x2x128xi32, #tpu.memory_space<hbm>> -> memref<2x128xi32, #tpu.memory_space<hbm>>
      tpu.wait_dma2 semaphore(%arg14 : memref<!tpu.dma_semaphore, #tpu.memory_space<semaphore_mem>>) src(%dma_wait3A_156 : memref<2x128xi32, #tpu.memory_space<hbm>>) dst(%arg8 : memref<2x128xi32, #tpu.memory_space<vmem>>)
      %dma_start3A_157 = arith.constant 0 : i32
      %dma_start3A_158 = arith.constant 0 : i32
      %dma_start3A_159 = tpu.memref_slice %arg8[%dma_start3A_157, %dma_start3A_158] : memref<2x128xi32, #tpu.memory_space<vmem>> -> memref<1x128xi32, #tpu.memory_space<vmem>>
      %dma_start3A_160 = tpu.memref_squeeze %dma_start3A_159 : memref<1x128xi32, #tpu.memory_space<vmem>> -> memref<128xi32, #tpu.memory_space<vmem>>
      %dma_start3A_161 = arith.constant 0 : i32
      %dma_start3A_162 = arith.constant 0 : i32
      %dma_start3A_163 = tpu.memref_slice %arg2[%dma_start3A_161, %dma_start3A_162] : memref<10000x128xf32, #tpu.memory_space<hbm>> -> memref<10000x128xf32, #tpu.memory_space<hbm>>
      tpu.enqueue_indirect_dma source(%dma_start3A_163 : memref<10000x128xf32, #tpu.memory_space<hbm>>) target(%arg10 : memref<128x128xf32, #tpu.memory_space<vmem>>) offsets(%dma_start3A_160 : memref<128xi32, #tpu.memory_space<vmem>>) semaphore(%arg15 : memref<!tpu.dma_semaphore, #tpu.memory_space<semaphore_mem>>) {add = true}
      %dma_start3A_164 = arith.constant 1 : i32
      %dma_start3A_165 = arith.constant 0 : i32
      %dma_start3A_166 = tpu.memref_slice %arg8[%dma_start3A_164, %dma_start3A_165] : memref<2x128xi32, #tpu.memory_space<vmem>> -> memref<1x128xi32, #tpu.memory_space<vmem>>
      %dma_start3A_167 = tpu.memref_squeeze %dma_start3A_166 : memref<1x128xi32, #tpu.memory_space<vmem>> -> memref<128xi32, #tpu.memory_space<vmem>>
      %dma_start3A_168 = arith.constant 0 : i32
      %dma_start3A_169 = arith.constant 0 : i32
      %dma_start3A_170 = tpu.memref_slice %arg3[%dma_start3A_168, %dma_start3A_169] : memref<10000x128xf32, #tpu.memory_space<hbm>> -> memref<10000x128xf32, #tpu.memory_space<hbm>>
      tpu.enqueue_indirect_dma source(%dma_start3A_170 : memref<10000x128xf32, #tpu.memory_space<hbm>>) target(%arg10 : memref<128x128xf32, #tpu.memory_space<vmem>>) offsets(%dma_start3A_167 : memref<128xi32, #tpu.memory_space<vmem>>) semaphore(%arg16 : memref<!tpu.dma_semaphore, #tpu.memory_space<semaphore_mem>>) {add = true}
      %mul3A_171 = arith.constant 2 : i32
      %mul3A_172 = arith.muli %mul3A_171, %scan3A_102 : i32
      %add3A_173 = arith.constant 1 : i32
      %add3A_174 = arith.addi %mul3A_172, %add3A_173 : i32
      %ge3A_175 = arith.constant 2 : i32
      %ge3A_176 = arith.cmpi sge, %add3A_174, %ge3A_175 : i32
      %convert_element_type3A_177 = arith.extui %ge3A_176 : i1 to i32
      %cond3A_178 = arith.constant 0 : i32
      %cond3A_179 = arith.cmpi ne, %convert_element_type3A_177, %cond3A_178 : i32
      scf.if %cond3A_179 {
        %sub3A = arith.constant 2 : i32
        %sub3A_242 = arith.subi %add3A_174, %sub3A : i32
        %mul3A_243 = arith.constant 32 : i32
        %mul3A_244 = arith.muli %sub3A_242, %mul3A_243 : i32
        %add3A_245 = arith.addi %mul3A_244, %add3A : i32
        %mul3A_246 = arith.constant 128 : i32
        %mul3A_247 = arith.muli %add3A_245, %mul3A_246 : i32
        %multiple_of3A_248 = tpu.assume_multiple %mul3A_247, 128 : i32
        %dma_wait3A_249 = arith.constant 0 : i32
        %dma_wait3A_250 = tpu.memref_slice %arg6[%multiple_of3A_248, %dma_wait3A_249] : memref<320000x128xf32, #tpu.memory_space<hbm>> -> memref<128x128xf32, #tpu.memory_space<hbm>>
        %dma_wait3A_251 = arith.constant 0 : i32
        %dma_wait3A_252 = tpu.memref_slice %arg6[%multiple_of3A_248, %dma_wait3A_251] : memref<320000x128xf32, #tpu.memory_space<hbm>> -> memref<128x128xf32, #tpu.memory_space<hbm>>
        tpu.wait_dma2 semaphore(%arg23 : memref<!tpu.dma_semaphore, #tpu.memory_space<semaphore_mem>>) src(%arg11 : memref<128x128xf32, #tpu.memory_space<vmem>>) dst(%dma_wait3A_252 : memref<128x128xf32, #tpu.memory_space<hbm>>)
        %dma_wait3A_253 = arith.constant 1 : i32
        %dma_wait3A_254 = arith.constant 0 : i32
        %dma_wait3A_255 = tpu.memref_slice %arg9[%dma_wait3A_253, %dma_wait3A_254] : memref<2x128xi32, #tpu.memory_space<vmem>> -> memref<1x128xi32, #tpu.memory_space<vmem>>
        %dma_wait3A_256 = tpu.memref_squeeze %dma_wait3A_255 : memref<1x128xi32, #tpu.memory_space<vmem>> -> memref<128xi32, #tpu.memory_space<vmem>>
        %dma_wait3A_257 = arith.constant 0 : i32
        %dma_wait3A_258 = arith.constant 0 : i32
        %dma_wait3A_259 = tpu.memref_slice %arg12[%dma_wait3A_257, %dma_wait3A_258] : memref<10112x128xf32, #tpu.memory_space<vmem_shared>> -> memref<10112x128xf32, #tpu.memory_space<vmem_shared>>
        tpu.wait_indirect_dma semaphore(%arg24 : memref<!tpu.dma_semaphore, #tpu.memory_space<semaphore_mem>>) src(%arg11 : memref<128x128xf32, #tpu.memory_space<vmem>>) dst(%dma_wait3A_259 : memref<10112x128xf32, #tpu.memory_space<vmem_shared>>)
      } else {
      }
      %mul3A_180 = arith.constant 32 : i32
      %mul3A_181 = arith.muli %add3A_174, %mul3A_180 : i32
      %add3A_182 = arith.addi %mul3A_181, %add3A : i32
      %mul3A_183 = arith.constant 128 : i32
      %mul3A_184 = arith.muli %add3A_182, %mul3A_183 : i32
      %multiple_of3A_185 = tpu.assume_multiple %mul3A_184, 128 : i32
      %dma_start3A_186 = arith.constant 0 : i32
      %dma_start3A_187 = tpu.memref_slice %arg4[%multiple_of3A_185, %dma_start3A_186] : memref<320000x128xf32, #tpu.memory_space<hbm>> -> memref<128x128xf32, #tpu.memory_space<hbm>>
      %dma_start3A_188 = arith.constant 0 : i32
      %dma_start3A_189 = tpu.memref_slice %arg4[%multiple_of3A_185, %dma_start3A_188] : memref<320000x128xf32, #tpu.memory_space<hbm>> -> memref<128x128xf32, #tpu.memory_space<hbm>>
      tpu.enqueue_dma source(%dma_start3A_189 : memref<128x128xf32, #tpu.memory_space<hbm>>) target(%arg11 : memref<128x128xf32, #tpu.memory_space<vmem>>) target_semaphore(%arg19 : memref<!tpu.dma_semaphore, #tpu.memory_space<semaphore_mem>>)
      %mul3A_190 = arith.constant 80 : i32
      %mul3A_191 = arith.muli %add3A, %mul3A_190 : i32
      %add3A_192 = arith.addi %mul3A_191, %add3A_174 : i32
      %dma_start3A_193 = arith.constant 0 : i32
      %dma_start3A_194 = arith.constant 0 : i32
      %dma_start3A_195 = tpu.memref_slice %arg5[%add3A_192, %dma_start3A_193, %dma_start3A_194] : memref<2560x2x128xi32, #tpu.memory_space<hbm>> -> memref<1x2x128xi32, #tpu.memory_space<hbm>>
      %dma_start3A_196 = tpu.memref_squeeze %dma_start3A_195 : memref<1x2x128xi32, #tpu.memory_space<hbm>> -> memref<2x128xi32, #tpu.memory_space<hbm>>
      %dma_start3A_197 = arith.constant 0 : i32
      %dma_start3A_198 = arith.constant 0 : i32
      %dma_start3A_199 = tpu.memref_slice %arg5[%add3A_192, %dma_start3A_197, %dma_start3A_198] : memref<2560x2x128xi32, #tpu.memory_space<hbm>> -> memref<1x2x128xi32, #tpu.memory_space<hbm>>
      %dma_start3A_200 = tpu.memref_squeeze %dma_start3A_199 : memref<1x2x128xi32, #tpu.memory_space<hbm>> -> memref<2x128xi32, #tpu.memory_space<hbm>>
      tpu.enqueue_dma source(%dma_start3A_200 : memref<2x128xi32, #tpu.memory_space<hbm>>) target(%arg9 : memref<2x128xi32, #tpu.memory_space<vmem>>) target_semaphore(%arg20 : memref<!tpu.dma_semaphore, #tpu.memory_space<semaphore_mem>>)
      %ge3A_201 = arith.constant 1 : i32
      %ge3A_202 = arith.cmpi sge, %add3A_174, %ge3A_201 : i32
      %convert_element_type3A_203 = arith.extui %ge3A_202 : i1 to i32
      %cond3A_204 = arith.constant 0 : i32
      %cond3A_205 = arith.cmpi ne, %convert_element_type3A_203, %cond3A_204 : i32
      scf.if %cond3A_205 {
        %sub3A = arith.constant 1 : i32
        %sub3A_242 = arith.subi %add3A_174, %sub3A : i32
        %dma_wait3A_243 = arith.constant 0 : i32
        %dma_wait3A_244 = arith.constant 0 : i32
        %dma_wait3A_245 = tpu.memref_slice %arg8[%dma_wait3A_243, %dma_wait3A_244] : memref<2x128xi32, #tpu.memory_space<vmem>> -> memref<1x128xi32, #tpu.memory_space<vmem>>
        %dma_wait3A_246 = tpu.memref_squeeze %dma_wait3A_245 : memref<1x128xi32, #tpu.memory_space<vmem>> -> memref<128xi32, #tpu.memory_space<vmem>>
        %dma_wait3A_247 = arith.constant 0 : i32
        %dma_wait3A_248 = arith.constant 0 : i32
        %dma_wait3A_249 = tpu.memref_slice %arg2[%dma_wait3A_247, %dma_wait3A_248] : memref<10000x128xf32, #tpu.memory_space<hbm>> -> memref<10000x128xf32, #tpu.memory_space<hbm>>
        tpu.wait_indirect_dma semaphore(%arg15 : memref<!tpu.dma_semaphore, #tpu.memory_space<semaphore_mem>>) src(%dma_wait3A_249 : memref<10000x128xf32, #tpu.memory_space<hbm>>) dst(%arg10 : memref<128x128xf32, #tpu.memory_space<vmem>>)
        %dma_wait3A_250 = arith.constant 1 : i32
        %dma_wait3A_251 = arith.constant 0 : i32
        %dma_wait3A_252 = tpu.memref_slice %arg8[%dma_wait3A_250, %dma_wait3A_251] : memref<2x128xi32, #tpu.memory_space<vmem>> -> memref<1x128xi32, #tpu.memory_space<vmem>>
        %dma_wait3A_253 = tpu.memref_squeeze %dma_wait3A_252 : memref<1x128xi32, #tpu.memory_space<vmem>> -> memref<128xi32, #tpu.memory_space<vmem>>
        %dma_wait3A_254 = arith.constant 0 : i32
        %dma_wait3A_255 = arith.constant 0 : i32
        %dma_wait3A_256 = tpu.memref_slice %arg3[%dma_wait3A_254, %dma_wait3A_255] : memref<10000x128xf32, #tpu.memory_space<hbm>> -> memref<10000x128xf32, #tpu.memory_space<hbm>>
        tpu.wait_indirect_dma semaphore(%arg16 : memref<!tpu.dma_semaphore, #tpu.memory_space<semaphore_mem>>) src(%dma_wait3A_256 : memref<10000x128xf32, #tpu.memory_space<hbm>>) dst(%arg10 : memref<128x128xf32, #tpu.memory_space<vmem>>)
        %parallel_loop3A_257 = arith.constant 0 : i32
        %parallel_loop3A_258 = arith.constant 128 : i32
        %parallel_loop3A_259 = arith.constant 1 : i32
        scf.for %parallel_loop3A_279 = %parallel_loop3A_257 to %parallel_loop3A_258 step %parallel_loop3A_259  : i32 {
          %parallel_loop3A_280 = arith.index_cast %parallel_loop3A_279 : i32 to index
          %parallel_loop3A_281 = arith.constant 0 : index
          %parallel_loop3A_282 = tpu.vector_load %arg10[%parallel_loop3A_280, %parallel_loop3A_281] {strides = array<i32>} : memref<128x128xf32, #tpu.memory_space<vmem>>, vector<1x16xf32>,
          %parallel_loop3A_283 = vector.shape_cast %parallel_loop3A_282 : vector<1x16xf32> to vector<16xf32>
          %parallel_loop3A_284 = arith.constant 0.000000e+00 : f32
          %parallel_loop3A_285 = vector.broadcast %parallel_loop3A_284 : f32 to vector<16xf32>
          %parallel_loop3A_286 = arith.maximumf %parallel_loop3A_283, %parallel_loop3A_285 : vector<16xf32>
          %parallel_loop3A_287 = arith.index_cast %parallel_loop3A_279 : i32 to index
          %parallel_loop3A_288 = arith.constant 0 : index
          %parallel_loop3A_289 = tpu.vector_load %arg10[%parallel_loop3A_287, %parallel_loop3A_288] {strides = array<i32>} : memref<128x128xf32, #tpu.memory_space<vmem>>, vector<1x16xf32>,
          %parallel_loop3A_290 = vector.shape_cast %parallel_loop3A_289 : vector<1x16xf32> to vector<16xf32>
          %parallel_loop3A_291 = vector.shape_cast %parallel_loop3A_286 : vector<16xf32> to vector<1x16xf32>
          tpu.vector_store %arg10[%parallel_loop3A_287, %parallel_loop3A_288], %parallel_loop3A_291 {strides = array<i32>} : memref<128x128xf32, #tpu.memory_space<vmem>>, vector<1x16xf32>,
          %parallel_loop3A_292 = arith.index_cast %parallel_loop3A_279 : i32 to index
          %parallel_loop3A_293 = arith.constant 16 : index
          %parallel_loop3A_294 = tpu.vector_load %arg10[%parallel_loop3A_292, %parallel_loop3A_293] {strides = array<i32>} : memref<128x128xf32, #tpu.memory_space<vmem>>, vector<1x16xf32>,
          %parallel_loop3A_295 = vector.shape_cast %parallel_loop3A_294 : vector<1x16xf32> to vector<16xf32>
          %parallel_loop3A_296 = arith.constant 0.000000e+00 : f32
          %parallel_loop3A_297 = vector.broadcast %parallel_loop3A_296 : f32 to vector<16xf32>
          %parallel_loop3A_298 = arith.maximumf %parallel_loop3A_295, %parallel_loop3A_297 : vector<16xf32>
          %parallel_loop3A_299 = arith.index_cast %parallel_loop3A_279 : i32 to index
          %parallel_loop3A_300 = arith.constant 16 : index
          %parallel_loop3A_301 = tpu.vector_load %arg10[%parallel_loop3A_299, %parallel_loop3A_300] {strides = array<i32>} : memref<128x128xf32, #tpu.memory_space<vmem>>, vector<1x16xf32>,
          %parallel_loop3A_302 = vector.shape_cast %parallel_loop3A_301 : vector<1x16xf32> to vector<16xf32>
          %parallel_loop3A_303 = vector.shape_cast %parallel_loop3A_298 : vector<16xf32> to vector<1x16xf32>
          tpu.vector_store %arg10[%parallel_loop3A_299, %parallel_loop3A_300], %parallel_loop3A_303 {strides = array<i32>} : memref<128x128xf32, #tpu.memory_space<vmem>>, vector<1x16xf32>,
          %parallel_loop3A_304 = arith.index_cast %parallel_loop3A_279 : i32 to index
          %parallel_loop3A_305 = arith.constant 32 : index
          %parallel_loop3A_306 = tpu.vector_load %arg10[%parallel_loop3A_304, %parallel_loop3A_305] {strides = array<i32>} : memref<128x128xf32, #tpu.memory_space<vmem>>, vector<1x16xf32>,
          %parallel_loop3A_307 = vector.shape_cast %parallel_loop3A_306 : vector<1x16xf32> to vector<16xf32>
          %parallel_loop3A_308 = arith.constant 0.000000e+00 : f32
          %parallel_loop3A_309 = vector.broadcast %parallel_loop3A_308 : f32 to vector<16xf32>
          %parallel_loop3A_310 = arith.maximumf %parallel_loop3A_307, %parallel_loop3A_309 : vector<16xf32>
          %parallel_loop3A_311 = arith.index_cast %parallel_loop3A_279 : i32 to index
          %parallel_loop3A_312 = arith.constant 32 : index
          %parallel_loop3A_313 = tpu.vector_load %arg10[%parallel_loop3A_311, %parallel_loop3A_312] {strides = array<i32>} : memref<128x128xf32, #tpu.memory_space<vmem>>, vector<1x16xf32>,
          %parallel_loop3A_314 = vector.shape_cast %parallel_loop3A_313 : vector<1x16xf32> to vector<16xf32>
          %parallel_loop3A_315 = vector.shape_cast %parallel_loop3A_310 : vector<16xf32> to vector<1x16xf32>
          tpu.vector_store %arg10[%parallel_loop3A_311, %parallel_loop3A_312], %parallel_loop3A_315 {strides = array<i32>} : memref<128x128xf32, #tpu.memory_space<vmem>>, vector<1x16xf32>,
          %parallel_loop3A_316 = arith.index_cast %parallel_loop3A_279 : i32 to index
          %parallel_loop3A_317 = arith.constant 48 : index
          %parallel_loop3A_318 = tpu.vector_load %arg10[%parallel_loop3A_316, %parallel_loop3A_317] {strides = array<i32>} : memref<128x128xf32, #tpu.memory_space<vmem>>, vector<1x16xf32>,
          %parallel_loop3A_319 = vector.shape_cast %parallel_loop3A_318 : vector<1x16xf32> to vector<16xf32>
          %parallel_loop3A_320 = arith.constant 0.000000e+00 : f32
          %parallel_loop3A_321 = vector.broadcast %parallel_loop3A_320 : f32 to vector<16xf32>
          %parallel_loop3A_322 = arith.maximumf %parallel_loop3A_319, %parallel_loop3A_321 : vector<16xf32>
          %parallel_loop3A_323 = arith.index_cast %parallel_loop3A_279 : i32 to index
          %parallel_loop3A_324 = arith.constant 48 : index
          %parallel_loop3A_325 = tpu.vector_load %arg10[%parallel_loop3A_323, %parallel_loop3A_324] {strides = array<i32>} : memref<128x128xf32, #tpu.memory_space<vmem>>, vector<1x16xf32>,
          %parallel_loop3A_326 = vector.shape_cast %parallel_loop3A_325 : vector<1x16xf32> to vector<16xf32>
          %parallel_loop3A_327 = vector.shape_cast %parallel_loop3A_322 : vector<16xf32> to vector<1x16xf32>
          tpu.vector_store %arg10[%parallel_loop3A_323, %parallel_loop3A_324], %parallel_loop3A_327 {strides = array<i32>} : memref<128x128xf32, #tpu.memory_space<vmem>>, vector<1x16xf32>,
          %parallel_loop3A_328 = arith.index_cast %parallel_loop3A_279 : i32 to index
          %parallel_loop3A_329 = arith.constant 64 : index
          %parallel_loop3A_330 = tpu.vector_load %arg10[%parallel_loop3A_328, %parallel_loop3A_329] {strides = array<i32>} : memref<128x128xf32, #tpu.memory_space<vmem>>, vector<1x16xf32>,
          %parallel_loop3A_331 = vector.shape_cast %parallel_loop3A_330 : vector<1x16xf32> to vector<16xf32>
          %parallel_loop3A_332 = arith.constant 0.000000e+00 : f32
          %parallel_loop3A_333 = vector.broadcast %parallel_loop3A_332 : f32 to vector<16xf32>
          %parallel_loop3A_334 = arith.maximumf %parallel_loop3A_331, %parallel_loop3A_333 : vector<16xf32>
          %parallel_loop3A_335 = arith.index_cast %parallel_loop3A_279 : i32 to index
          %parallel_loop3A_336 = arith.constant 64 : index
          %parallel_loop3A_337 = tpu.vector_load %arg10[%parallel_loop3A_335, %parallel_loop3A_336] {strides = array<i32>} : memref<128x128xf32, #tpu.memory_space<vmem>>, vector<1x16xf32>,
          %parallel_loop3A_338 = vector.shape_cast %parallel_loop3A_337 : vector<1x16xf32> to vector<16xf32>
          %parallel_loop3A_339 = vector.shape_cast %parallel_loop3A_334 : vector<16xf32> to vector<1x16xf32>
          tpu.vector_store %arg10[%parallel_loop3A_335, %parallel_loop3A_336], %parallel_loop3A_339 {strides = array<i32>} : memref<128x128xf32, #tpu.memory_space<vmem>>, vector<1x16xf32>,
          %parallel_loop3A_340 = arith.index_cast %parallel_loop3A_279 : i32 to index
          %parallel_loop3A_341 = arith.constant 80 : index
          %parallel_loop3A_342 = tpu.vector_load %arg10[%parallel_loop3A_340, %parallel_loop3A_341] {strides = array<i32>} : memref<128x128xf32, #tpu.memory_space<vmem>>, vector<1x16xf32>,
          %parallel_loop3A_343 = vector.shape_cast %parallel_loop3A_342 : vector<1x16xf32> to vector<16xf32>
          %parallel_loop3A_344 = arith.constant 0.000000e+00 : f32
          %parallel_loop3A_345 = vector.broadcast %parallel_loop3A_344 : f32 to vector<16xf32>
          %parallel_loop3A_346 = arith.maximumf %parallel_loop3A_343, %parallel_loop3A_345 : vector<16xf32>
          %parallel_loop3A_347 = arith.index_cast %parallel_loop3A_279 : i32 to index
          %parallel_loop3A_348 = arith.constant 80 : index
          %parallel_loop3A_349 = tpu.vector_load %arg10[%parallel_loop3A_347, %parallel_loop3A_348] {strides = array<i32>} : memref<128x128xf32, #tpu.memory_space<vmem>>, vector<1x16xf32>,
          %parallel_loop3A_350 = vector.shape_cast %parallel_loop3A_349 : vector<1x16xf32> to vector<16xf32>
          %parallel_loop3A_351 = vector.shape_cast %parallel_loop3A_346 : vector<16xf32> to vector<1x16xf32>
          tpu.vector_store %arg10[%parallel_loop3A_347, %parallel_loop3A_348], %parallel_loop3A_351 {strides = array<i32>} : memref<128x128xf32, #tpu.memory_space<vmem>>, vector<1x16xf32>,
          %parallel_loop3A_352 = arith.index_cast %parallel_loop3A_279 : i32 to index
          %parallel_loop3A_353 = arith.constant 96 : index
          %parallel_loop3A_354 = tpu.vector_load %arg10[%parallel_loop3A_352, %parallel_loop3A_353] {strides = array<i32>} : memref<128x128xf32, #tpu.memory_space<vmem>>, vector<1x16xf32>,
          %parallel_loop3A_355 = vector.shape_cast %parallel_loop3A_354 : vector<1x16xf32> to vector<16xf32>
          %parallel_loop3A_356 = arith.constant 0.000000e+00 : f32
          %parallel_loop3A_357 = vector.broadcast %parallel_loop3A_356 : f32 to vector<16xf32>
          %parallel_loop3A_358 = arith.maximumf %parallel_loop3A_355, %parallel_loop3A_357 : vector<16xf32>
          %parallel_loop3A_359 = arith.index_cast %parallel_loop3A_279 : i32 to index
          %parallel_loop3A_360 = arith.constant 96 : index
          %parallel_loop3A_361 = tpu.vector_load %arg10[%parallel_loop3A_359, %parallel_loop3A_360] {strides = array<i32>} : memref<128x128xf32, #tpu.memory_space<vmem>>, vector<1x16xf32>,
          %parallel_loop3A_362 = vector.shape_cast %parallel_loop3A_361 : vector<1x16xf32> to vector<16xf32>
          %parallel_loop3A_363 = vector.shape_cast %parallel_loop3A_358 : vector<16xf32> to vector<1x16xf32>
          tpu.vector_store %arg10[%parallel_loop3A_359, %parallel_loop3A_360], %parallel_loop3A_363 {strides = array<i32>} : memref<128x128xf32, #tpu.memory_space<vmem>>, vector<1x16xf32>,
          %parallel_loop3A_364 = arith.index_cast %parallel_loop3A_279 : i32 to index
          %parallel_loop3A_365 = arith.constant 112 : index
          %parallel_loop3A_366 = tpu.vector_load %arg10[%parallel_loop3A_364, %parallel_loop3A_365] {strides = array<i32>} : memref<128x128xf32, #tpu.memory_space<vmem>>, vector<1x16xf32>,
          %parallel_loop3A_367 = vector.shape_cast %parallel_loop3A_366 : vector<1x16xf32> to vector<16xf32>
          %parallel_loop3A_368 = arith.constant 0.000000e+00 : f32
          %parallel_loop3A_369 = vector.broadcast %parallel_loop3A_368 : f32 to vector<16xf32>
          %parallel_loop3A_370 = arith.maximumf %parallel_loop3A_367, %parallel_loop3A_369 : vector<16xf32>
          %parallel_loop3A_371 = arith.index_cast %parallel_loop3A_279 : i32 to index
          %parallel_loop3A_372 = arith.constant 112 : index
          %parallel_loop3A_373 = tpu.vector_load %arg10[%parallel_loop3A_371, %parallel_loop3A_372] {strides = array<i32>} : memref<128x128xf32, #tpu.memory_space<vmem>>, vector<1x16xf32>,
          %parallel_loop3A_374 = vector.shape_cast %parallel_loop3A_373 : vector<1x16xf32> to vector<16xf32>
          %parallel_loop3A_375 = vector.shape_cast %parallel_loop3A_370 : vector<16xf32> to vector<1x16xf32>
          tpu.vector_store %arg10[%parallel_loop3A_371, %parallel_loop3A_372], %parallel_loop3A_375 {strides = array<i32>} : memref<128x128xf32, #tpu.memory_space<vmem>>, vector<1x16xf32>,
        } {sc.loop_unroll_factor = 1 : i64, sc.parallel_access}
        %sub3A_260 = arith.constant 1 : i32
        %sub3A_261 = arith.subi %add3A_174, %sub3A_260 : i32
        %mul3A_262 = arith.constant 32 : i32
        %mul3A_263 = arith.muli %sub3A_261, %mul3A_262 : i32
        %add3A_264 = arith.addi %mul3A_263, %add3A : i32
        %mul3A_265 = arith.constant 128 : i32
        %mul3A_266 = arith.muli %add3A_264, %mul3A_265 : i32
        %multiple_of3A_267 = tpu.assume_multiple %mul3A_266, 128 : i32
        %dma_start3A_268 = arith.constant 0 : i32
        %dma_start3A_269 = tpu.memref_slice %arg6[%multiple_of3A_267, %dma_start3A_268] : memref<320000x128xf32, #tpu.memory_space<hbm>> -> memref<128x128xf32, #tpu.memory_space<hbm>>
        %dma_start3A_270 = arith.constant 0 : i32
        %dma_start3A_271 = tpu.memref_slice %arg6[%multiple_of3A_267, %dma_start3A_270] : memref<320000x128xf32, #tpu.memory_space<hbm>> -> memref<128x128xf32, #tpu.memory_space<hbm>>
        tpu.enqueue_dma source(%arg10 : memref<128x128xf32, #tpu.memory_space<vmem>>) target(%dma_start3A_271 : memref<128x128xf32, #tpu.memory_space<hbm>>) target_semaphore(%arg17 : memref<!tpu.dma_semaphore, #tpu.memory_space<semaphore_mem>>)
        %dma_start3A_272 = arith.constant 1 : i32
        %dma_start3A_273 = arith.constant 0 : i32
        %dma_start3A_274 = tpu.memref_slice %arg8[%dma_start3A_272, %dma_start3A_273] : memref<2x128xi32, #tpu.memory_space<vmem>> -> memref<1x128xi32, #tpu.memory_space<vmem>>
        %dma_start3A_275 = tpu.memref_squeeze %dma_start3A_274 : memref<1x128xi32, #tpu.memory_space<vmem>> -> memref<128xi32, #tpu.memory_space<vmem>>
        %dma_start3A_276 = arith.constant 0 : i32
        %dma_start3A_277 = arith.constant 0 : i32
        %dma_start3A_278 = tpu.memref_slice %arg12[%dma_start3A_276, %dma_start3A_277] : memref<10112x128xf32, #tpu.memory_space<vmem_shared>> -> memref<10112x128xf32, #tpu.memory_space<vmem_shared>>
        tpu.enqueue_indirect_dma source(%arg10 : memref<128x128xf32, #tpu.memory_space<vmem>>) target(%dma_start3A_278 : memref<10112x128xf32, #tpu.memory_space<vmem_shared>>) offsets(%dma_start3A_275 : memref<128xi32, #tpu.memory_space<vmem>>) semaphore(%arg18 : memref<!tpu.dma_semaphore, #tpu.memory_space<semaphore_mem>>) {add = true}
      } else {
      }
      %mul3A_206 = arith.constant 32 : i32
      %mul3A_207 = arith.muli %add3A_174, %mul3A_206 : i32
      %add3A_208 = arith.addi %mul3A_207, %add3A : i32
      %mul3A_209 = arith.constant 128 : i32
      %mul3A_210 = arith.muli %add3A_208, %mul3A_209 : i32
      %multiple_of3A_211 = tpu.assume_multiple %mul3A_210, 128 : i32
      %dma_wait3A_212 = arith.constant 0 : i32
      %dma_wait3A_213 = tpu.memref_slice %arg4[%multiple_of3A_211, %dma_wait3A_212] : memref<320000x128xf32, #tpu.memory_space<hbm>> -> memref<128x128xf32, #tpu.memory_space<hbm>>
      %dma_wait3A_214 = arith.constant 0 : i32
      %dma_wait3A_215 = tpu.memref_slice %arg4[%multiple_of3A_211, %dma_wait3A_214] : memref<320000x128xf32, #tpu.memory_space<hbm>> -> memref<128x128xf32, #tpu.memory_space<hbm>>
      tpu.wait_dma2 semaphore(%arg19 : memref<!tpu.dma_semaphore, #tpu.memory_space<semaphore_mem>>) src(%dma_wait3A_215 : memref<128x128xf32, #tpu.memory_space<hbm>>) dst(%arg11 : memref<128x128xf32, #tpu.memory_space<vmem>>)
      %mul3A_216 = arith.constant 80 : i32
      %mul3A_217 = arith.muli %add3A, %mul3A_216 : i32
      %add3A_218 = arith.addi %mul3A_217, %add3A_174 : i32
      %dma_wait3A_219 = arith.constant 0 : i32
      %dma_wait3A_220 = arith.constant 0 : i32
      %dma_wait3A_221 = tpu.memref_slice %arg5[%add3A_218, %dma_wait3A_219, %dma_wait3A_220] : memref<2560x2x128xi32, #tpu.memory_space<hbm>> -> memref<1x2x128xi32, #tpu.memory_space<hbm>>
      %dma_wait3A_222 = tpu.memref_squeeze %dma_wait3A_221 : memref<1x2x128xi32, #tpu.memory_space<hbm>> -> memref<2x128xi32, #tpu.memory_space<hbm>>
      %dma_wait3A_223 = arith.constant 0 : i32
      %dma_wait3A_224 = arith.constant 0 : i32
      %dma_wait3A_225 = tpu.memref_slice %arg5[%add3A_218, %dma_wait3A_223, %dma_wait3A_224] : memref<2560x2x128xi32, #tpu.memory_space<hbm>> -> memref<1x2x128xi32, #tpu.memory_space<hbm>>
      %dma_wait3A_226 = tpu.memref_squeeze %dma_wait3A_225 : memref<1x2x128xi32, #tpu.memory_space<hbm>> -> memref<2x128xi32, #tpu.memory_space<hbm>>
      tpu.wait_dma2 semaphore(%arg20 : memref<!tpu.dma_semaphore, #tpu.memory_space<semaphore_mem>>) src(%dma_wait3A_226 : memref<2x128xi32, #tpu.memory_space<hbm>>) dst(%arg9 : memref<2x128xi32, #tpu.memory_space<vmem>>)
      %dma_start3A_227 = arith.constant 0 : i32
      %dma_start3A_228 = arith.constant 0 : i32
      %dma_start3A_229 = tpu.memref_slice %arg9[%dma_start3A_227, %dma_start3A_228] : memref<2x128xi32, #tpu.memory_space<vmem>> -> memref<1x128xi32, #tpu.memory_space<vmem>>
      %dma_start3A_230 = tpu.memref_squeeze %dma_start3A_229 : memref<1x128xi32, #tpu.memory_space<vmem>> -> memref<128xi32, #tpu.memory_space<vmem>>
      %dma_start3A_231 = arith.constant 0 : i32
      %dma_start3A_232 = arith.constant 0 : i32
      %dma_start3A_233 = tpu.memref_slice %arg2[%dma_start3A_231, %dma_start3A_232] : memref<10000x128xf32, #tpu.memory_space<hbm>> -> memref<10000x128xf32, #tpu.memory_space<hbm>>
      tpu.enqueue_indirect_dma source(%dma_start3A_233 : memref<10000x128xf32, #tpu.memory_space<hbm>>) target(%arg11 : memref<128x128xf32, #tpu.memory_space<vmem>>) offsets(%dma_start3A_230 : memref<128xi32, #tpu.memory_space<vmem>>) semaphore(%arg21 : memref<!tpu.dma_semaphore, #tpu.memory_space<semaphore_mem>>) {add = true}
      %dma_start3A_234 = arith.constant 1 : i32
      %dma_start3A_235 = arith.constant 0 : i32
      %dma_start3A_236 = tpu.memref_slice %arg9[%dma_start3A_234, %dma_start3A_235] : memref<2x128xi32, #tpu.memory_space<vmem>> -> memref<1x128xi32, #tpu.memory_space<vmem>>
      %dma_start3A_237 = tpu.memref_squeeze %dma_start3A_236 : memref<1x128xi32, #tpu.memory_space<vmem>> -> memref<128xi32, #tpu.memory_space<vmem>>
      %dma_start3A_238 = arith.constant 0 : i32
      %dma_start3A_239 = arith.constant 0 : i32
      %dma_start3A_240 = tpu.memref_slice %arg3[%dma_start3A_238, %dma_start3A_239] : memref<10000x128xf32, #tpu.memory_space<hbm>> -> memref<10000x128xf32, #tpu.memory_space<hbm>>
      tpu.enqueue_indirect_dma source(%dma_start3A_240 : memref<10000x128xf32, #tpu.memory_space<hbm>>) target(%arg11 : memref<128x128xf32, #tpu.memory_space<vmem>>) offsets(%dma_start3A_237 : memref<128xi32, #tpu.memory_space<vmem>>) semaphore(%arg22 : memref<!tpu.dma_semaphore, #tpu.memory_space<semaphore_mem>>) {add = true}
      %scan3A_241 = arith.constant 0 : i32
      scf.yield %scan3A_241 : i32
    }
    %scan3A_25 = arith.constant 39 : i32
    %dma_wait3A = arith.constant 0 : i32
    %dma_wait3A_26 = arith.constant 0 : i32
    %dma_wait3A_27 = tpu.memref_slice %arg9[%dma_wait3A, %dma_wait3A_26] : memref<2x128xi32, #tpu.memory_space<vmem>> -> memref<1x128xi32, #tpu.memory_space<vmem>>
    %dma_wait3A_28 = tpu.memref_squeeze %dma_wait3A_27 : memref<1x128xi32, #tpu.memory_space<vmem>> -> memref<128xi32, #tpu.memory_space<vmem>>
    %dma_wait3A_29 = arith.constant 0 : i32
    %dma_wait3A_30 = arith.constant 0 : i32
    %dma_wait3A_31 = tpu.memref_slice %arg2[%dma_wait3A_29, %dma_wait3A_30] : memref<10000x128xf32, #tpu.memory_space<hbm>> -> memref<10000x128xf32, #tpu.memory_space<hbm>>
    tpu.wait_indirect_dma semaphore(%arg21 : memref<!tpu.dma_semaphore, #tpu.memory_space<semaphore_mem>>) src(%dma_wait3A_31 : memref<10000x128xf32, #tpu.memory_space<hbm>>) dst(%arg11 : memref<128x128xf32, #tpu.memory_space<vmem>>)
    %dma_wait3A_32 = arith.constant 1 : i32
    %dma_wait3A_33 = arith.constant 0 : i32
    %dma_wait3A_34 = tpu.memref_slice %arg9[%dma_wait3A_32, %dma_wait3A_33] : memref<2x128xi32, #tpu.memory_space<vmem>> -> memref<1x128xi32, #tpu.memory_space<vmem>>
    %dma_wait3A_35 = tpu.memref_squeeze %dma_wait3A_34 : memref<1x128xi32, #tpu.memory_space<vmem>> -> memref<128xi32, #tpu.memory_space<vmem>>
    %dma_wait3A_36 = arith.constant 0 : i32
    %dma_wait3A_37 = arith.constant 0 : i32
    %dma_wait3A_38 = tpu.memref_slice %arg3[%dma_wait3A_36, %dma_wait3A_37] : memref<10000x128xf32, #tpu.memory_space<hbm>> -> memref<10000x128xf32, #tpu.memory_space<hbm>>
    tpu.wait_indirect_dma semaphore(%arg22 : memref<!tpu.dma_semaphore, #tpu.memory_space<semaphore_mem>>) src(%dma_wait3A_38 : memref<10000x128xf32, #tpu.memory_space<hbm>>) dst(%arg11 : memref<128x128xf32, #tpu.memory_space<vmem>>)
    %parallel_loop3A = arith.constant 0 : i32
    %parallel_loop3A_39 = arith.constant 128 : i32
    %parallel_loop3A_40 = arith.constant 1 : i32
    scf.for %parallel_loop3A_102 = %parallel_loop3A to %parallel_loop3A_39 step %parallel_loop3A_40  : i32 {
      %parallel_loop3A_103 = arith.index_cast %parallel_loop3A_102 : i32 to index
      %parallel_loop3A_104 = arith.constant 0 : index
      %parallel_loop3A_105 = tpu.vector_load %arg11[%parallel_loop3A_103, %parallel_loop3A_104] {strides = array<i32>} : memref<128x128xf32, #tpu.memory_space<vmem>>, vector<1x16xf32>,
      %parallel_loop3A_106 = vector.shape_cast %parallel_loop3A_105 : vector<1x16xf32> to vector<16xf32>
      %parallel_loop3A_107 = arith.constant 0.000000e+00 : f32
      %parallel_loop3A_108 = vector.broadcast %parallel_loop3A_107 : f32 to vector<16xf32>
      %parallel_loop3A_109 = arith.maximumf %parallel_loop3A_106, %parallel_loop3A_108 : vector<16xf32>
      %parallel_loop3A_110 = arith.index_cast %parallel_loop3A_102 : i32 to index
      %parallel_loop3A_111 = arith.constant 0 : index
      %parallel_loop3A_112 = tpu.vector_load %arg11[%parallel_loop3A_110, %parallel_loop3A_111] {strides = array<i32>} : memref<128x128xf32, #tpu.memory_space<vmem>>, vector<1x16xf32>,
      %parallel_loop3A_113 = vector.shape_cast %parallel_loop3A_112 : vector<1x16xf32> to vector<16xf32>
      %parallel_loop3A_114 = vector.shape_cast %parallel_loop3A_109 : vector<16xf32> to vector<1x16xf32>
      tpu.vector_store %arg11[%parallel_loop3A_110, %parallel_loop3A_111], %parallel_loop3A_114 {strides = array<i32>} : memref<128x128xf32, #tpu.memory_space<vmem>>, vector<1x16xf32>,
      %parallel_loop3A_115 = arith.index_cast %parallel_loop3A_102 : i32 to index
      %parallel_loop3A_116 = arith.constant 16 : index
      %parallel_loop3A_117 = tpu.vector_load %arg11[%parallel_loop3A_115, %parallel_loop3A_116] {strides = array<i32>} : memref<128x128xf32, #tpu.memory_space<vmem>>, vector<1x16xf32>,
      %parallel_loop3A_118 = vector.shape_cast %parallel_loop3A_117 : vector<1x16xf32> to vector<16xf32>
      %parallel_loop3A_119 = arith.constant 0.000000e+00 : f32
      %parallel_loop3A_120 = vector.broadcast %parallel_loop3A_119 : f32 to vector<16xf32>
      %parallel_loop3A_121 = arith.maximumf %parallel_loop3A_118, %parallel_loop3A_120 : vector<16xf32>
      %parallel_loop3A_122 = arith.index_cast %parallel_loop3A_102 : i32 to index
      %parallel_loop3A_123 = arith.constant 16 : index
      %parallel_loop3A_124 = tpu.vector_load %arg11[%parallel_loop3A_122, %parallel_loop3A_123] {strides = array<i32>} : memref<128x128xf32, #tpu.memory_space<vmem>>, vector<1x16xf32>,
      %parallel_loop3A_125 = vector.shape_cast %parallel_loop3A_124 : vector<1x16xf32> to vector<16xf32>
      %parallel_loop3A_126 = vector.shape_cast %parallel_loop3A_121 : vector<16xf32> to vector<1x16xf32>
      tpu.vector_store %arg11[%parallel_loop3A_122, %parallel_loop3A_123], %parallel_loop3A_126 {strides = array<i32>} : memref<128x128xf32, #tpu.memory_space<vmem>>, vector<1x16xf32>,
      %parallel_loop3A_127 = arith.index_cast %parallel_loop3A_102 : i32 to index
      %parallel_loop3A_128 = arith.constant 32 : index
      %parallel_loop3A_129 = tpu.vector_load %arg11[%parallel_loop3A_127, %parallel_loop3A_128] {strides = array<i32>} : memref<128x128xf32, #tpu.memory_space<vmem>>, vector<1x16xf32>,
      %parallel_loop3A_130 = vector.shape_cast %parallel_loop3A_129 : vector<1x16xf32> to vector<16xf32>
      %parallel_loop3A_131 = arith.constant 0.000000e+00 : f32
      %parallel_loop3A_132 = vector.broadcast %parallel_loop3A_131 : f32 to vector<16xf32>
      %parallel_loop3A_133 = arith.maximumf %parallel_loop3A_130, %parallel_loop3A_132 : vector<16xf32>
      %parallel_loop3A_134 = arith.index_cast %parallel_loop3A_102 : i32 to index
      %parallel_loop3A_135 = arith.constant 32 : index
      %parallel_loop3A_136 = tpu.vector_load %arg11[%parallel_loop3A_134, %parallel_loop3A_135] {strides = array<i32>} : memref<128x128xf32, #tpu.memory_space<vmem>>, vector<1x16xf32>,
      %parallel_loop3A_137 = vector.shape_cast %parallel_loop3A_136 : vector<1x16xf32> to vector<16xf32>
      %parallel_loop3A_138 = vector.shape_cast %parallel_loop3A_133 : vector<16xf32> to vector<1x16xf32>
      tpu.vector_store %arg11[%parallel_loop3A_134, %parallel_loop3A_135], %parallel_loop3A_138 {strides = array<i32>} : memref<128x128xf32, #tpu.memory_space<vmem>>, vector<1x16xf32>,
      %parallel_loop3A_139 = arith.index_cast %parallel_loop3A_102 : i32 to index
      %parallel_loop3A_140 = arith.constant 48 : index
      %parallel_loop3A_141 = tpu.vector_load %arg11[%parallel_loop3A_139, %parallel_loop3A_140] {strides = array<i32>} : memref<128x128xf32, #tpu.memory_space<vmem>>, vector<1x16xf32>,
      %parallel_loop3A_142 = vector.shape_cast %parallel_loop3A_141 : vector<1x16xf32> to vector<16xf32>
      %parallel_loop3A_143 = arith.constant 0.000000e+00 : f32
      %parallel_loop3A_144 = vector.broadcast %parallel_loop3A_143 : f32 to vector<16xf32>
      %parallel_loop3A_145 = arith.maximumf %parallel_loop3A_142, %parallel_loop3A_144 : vector<16xf32>
      %parallel_loop3A_146 = arith.index_cast %parallel_loop3A_102 : i32 to index
      %parallel_loop3A_147 = arith.constant 48 : index
      %parallel_loop3A_148 = tpu.vector_load %arg11[%parallel_loop3A_146, %parallel_loop3A_147] {strides = array<i32>} : memref<128x128xf32, #tpu.memory_space<vmem>>, vector<1x16xf32>,
      %parallel_loop3A_149 = vector.shape_cast %parallel_loop3A_148 : vector<1x16xf32> to vector<16xf32>
      %parallel_loop3A_150 = vector.shape_cast %parallel_loop3A_145 : vector<16xf32> to vector<1x16xf32>
      tpu.vector_store %arg11[%parallel_loop3A_146, %parallel_loop3A_147], %parallel_loop3A_150 {strides = array<i32>} : memref<128x128xf32, #tpu.memory_space<vmem>>, vector<1x16xf32>,
      %parallel_loop3A_151 = arith.index_cast %parallel_loop3A_102 : i32 to index
      %parallel_loop3A_152 = arith.constant 64 : index
      %parallel_loop3A_153 = tpu.vector_load %arg11[%parallel_loop3A_151, %parallel_loop3A_152] {strides = array<i32>} : memref<128x128xf32, #tpu.memory_space<vmem>>, vector<1x16xf32>,
      %parallel_loop3A_154 = vector.shape_cast %parallel_loop3A_153 : vector<1x16xf32> to vector<16xf32>
      %parallel_loop3A_155 = arith.constant 0.000000e+00 : f32
      %parallel_loop3A_156 = vector.broadcast %parallel_loop3A_155 : f32 to vector<16xf32>
      %parallel_loop3A_157 = arith.maximumf %parallel_loop3A_154, %parallel_loop3A_156 : vector<16xf32>
      %parallel_loop3A_158 = arith.index_cast %parallel_loop3A_102 : i32 to index
      %parallel_loop3A_159 = arith.constant 64 : index
      %parallel_loop3A_160 = tpu.vector_load %arg11[%parallel_loop3A_158, %parallel_loop3A_159] {strides = array<i32>} : memref<128x128xf32, #tpu.memory_space<vmem>>, vector<1x16xf32>,
      %parallel_loop3A_161 = vector.shape_cast %parallel_loop3A_160 : vector<1x16xf32> to vector<16xf32>
      %parallel_loop3A_162 = vector.shape_cast %parallel_loop3A_157 : vector<16xf32> to vector<1x16xf32>
      tpu.vector_store %arg11[%parallel_loop3A_158, %parallel_loop3A_159], %parallel_loop3A_162 {strides = array<i32>} : memref<128x128xf32, #tpu.memory_space<vmem>>, vector<1x16xf32>,
      %parallel_loop3A_163 = arith.index_cast %parallel_loop3A_102 : i32 to index
      %parallel_loop3A_164 = arith.constant 80 : index
      %parallel_loop3A_165 = tpu.vector_load %arg11[%parallel_loop3A_163, %parallel_loop3A_164] {strides = array<i32>} : memref<128x128xf32, #tpu.memory_space<vmem>>, vector<1x16xf32>,
      %parallel_loop3A_166 = vector.shape_cast %parallel_loop3A_165 : vector<1x16xf32> to vector<16xf32>
      %parallel_loop3A_167 = arith.constant 0.000000e+00 : f32
      %parallel_loop3A_168 = vector.broadcast %parallel_loop3A_167 : f32 to vector<16xf32>
      %parallel_loop3A_169 = arith.maximumf %parallel_loop3A_166, %parallel_loop3A_168 : vector<16xf32>
      %parallel_loop3A_170 = arith.index_cast %parallel_loop3A_102 : i32 to index
      %parallel_loop3A_171 = arith.constant 80 : index
      %parallel_loop3A_172 = tpu.vector_load %arg11[%parallel_loop3A_170, %parallel_loop3A_171] {strides = array<i32>} : memref<128x128xf32, #tpu.memory_space<vmem>>, vector<1x16xf32>,
      %parallel_loop3A_173 = vector.shape_cast %parallel_loop3A_172 : vector<1x16xf32> to vector<16xf32>
      %parallel_loop3A_174 = vector.shape_cast %parallel_loop3A_169 : vector<16xf32> to vector<1x16xf32>
      tpu.vector_store %arg11[%parallel_loop3A_170, %parallel_loop3A_171], %parallel_loop3A_174 {strides = array<i32>} : memref<128x128xf32, #tpu.memory_space<vmem>>, vector<1x16xf32>,
      %parallel_loop3A_175 = arith.index_cast %parallel_loop3A_102 : i32 to index
      %parallel_loop3A_176 = arith.constant 96 : index
      %parallel_loop3A_177 = tpu.vector_load %arg11[%parallel_loop3A_175, %parallel_loop3A_176] {strides = array<i32>} : memref<128x128xf32, #tpu.memory_space<vmem>>, vector<1x16xf32>,
      %parallel_loop3A_178 = vector.shape_cast %parallel_loop3A_177 : vector<1x16xf32> to vector<16xf32>
      %parallel_loop3A_179 = arith.constant 0.000000e+00 : f32
      %parallel_loop3A_180 = vector.broadcast %parallel_loop3A_179 : f32 to vector<16xf32>
      %parallel_loop3A_181 = arith.maximumf %parallel_loop3A_178, %parallel_loop3A_180 : vector<16xf32>
      %parallel_loop3A_182 = arith.index_cast %parallel_loop3A_102 : i32 to index
      %parallel_loop3A_183 = arith.constant 96 : index
      %parallel_loop3A_184 = tpu.vector_load %arg11[%parallel_loop3A_182, %parallel_loop3A_183] {strides = array<i32>} : memref<128x128xf32, #tpu.memory_space<vmem>>, vector<1x16xf32>,
      %parallel_loop3A_185 = vector.shape_cast %parallel_loop3A_184 : vector<1x16xf32> to vector<16xf32>
      %parallel_loop3A_186 = vector.shape_cast %parallel_loop3A_181 : vector<16xf32> to vector<1x16xf32>
      tpu.vector_store %arg11[%parallel_loop3A_182, %parallel_loop3A_183], %parallel_loop3A_186 {strides = array<i32>} : memref<128x128xf32, #tpu.memory_space<vmem>>, vector<1x16xf32>,
      %parallel_loop3A_187 = arith.index_cast %parallel_loop3A_102 : i32 to index
      %parallel_loop3A_188 = arith.constant 112 : index
      %parallel_loop3A_189 = tpu.vector_load %arg11[%parallel_loop3A_187, %parallel_loop3A_188] {strides = array<i32>} : memref<128x128xf32, #tpu.memory_space<vmem>>, vector<1x16xf32>,
      %parallel_loop3A_190 = vector.shape_cast %parallel_loop3A_189 : vector<1x16xf32> to vector<16xf32>
      %parallel_loop3A_191 = arith.constant 0.000000e+00 : f32
      %parallel_loop3A_192 = vector.broadcast %parallel_loop3A_191 : f32 to vector<16xf32>
      %parallel_loop3A_193 = arith.maximumf %parallel_loop3A_190, %parallel_loop3A_192 : vector<16xf32>
      %parallel_loop3A_194 = arith.index_cast %parallel_loop3A_102 : i32 to index
      %parallel_loop3A_195 = arith.constant 112 : index
      %parallel_loop3A_196 = tpu.vector_load %arg11[%parallel_loop3A_194, %parallel_loop3A_195] {strides = array<i32>} : memref<128x128xf32, #tpu.memory_space<vmem>>, vector<1x16xf32>,
      %parallel_loop3A_197 = vector.shape_cast %parallel_loop3A_196 : vector<1x16xf32> to vector<16xf32>
      %parallel_loop3A_198 = vector.shape_cast %parallel_loop3A_193 : vector<16xf32> to vector<1x16xf32>
      tpu.vector_store %arg11[%parallel_loop3A_194, %parallel_loop3A_195], %parallel_loop3A_198 {strides = array<i32>} : memref<128x128xf32, #tpu.memory_space<vmem>>, vector<1x16xf32>,
    } {sc.loop_unroll_factor = 1 : i64, sc.parallel_access}
    %add3A_41 = arith.constant 2464 : i32
    %add3A_42 = arith.addi %add3A_41, %add3A : i32
    %mul3A_43 = arith.constant 128 : i32
    %mul3A_44 = arith.muli %add3A_42, %mul3A_43 : i32
    %multiple_of3A = tpu.assume_multiple %mul3A_44, 128 : i32
    %dma_start3A = arith.constant 0 : i32
    %dma_start3A_45 = tpu.memref_slice %arg6[%multiple_of3A, %dma_start3A] : memref<320000x128xf32, #tpu.memory_space<hbm>> -> memref<128x128xf32, #tpu.memory_space<hbm>>
    %dma_start3A_46 = arith.constant 0 : i32
    %dma_start3A_47 = tpu.memref_slice %arg6[%multiple_of3A, %dma_start3A_46] : memref<320000x128xf32, #tpu.memory_space<hbm>> -> memref<128x128xf32, #tpu.memory_space<hbm>>
    tpu.enqueue_dma source(%arg11 : memref<128x128xf32, #tpu.memory_space<vmem>>) target(%dma_start3A_47 : memref<128x128xf32, #tpu.memory_space<hbm>>) target_semaphore(%arg23 : memref<!tpu.dma_semaphore, #tpu.memory_space<semaphore_mem>>)
    %dma_start3A_48 = arith.constant 1 : i32
    %dma_start3A_49 = arith.constant 0 : i32
    %dma_start3A_50 = tpu.memref_slice %arg9[%dma_start3A_48, %dma_start3A_49] : memref<2x128xi32, #tpu.memory_space<vmem>> -> memref<1x128xi32, #tpu.memory_space<vmem>>
    %dma_start3A_51 = tpu.memref_squeeze %dma_start3A_50 : memref<1x128xi32, #tpu.memory_space<vmem>> -> memref<128xi32, #tpu.memory_space<vmem>>
    %dma_start3A_52 = arith.constant 0 : i32
    %dma_start3A_53 = arith.constant 0 : i32
    %dma_start3A_54 = tpu.memref_slice %arg12[%dma_start3A_52, %dma_start3A_53] : memref<10112x128xf32, #tpu.memory_space<vmem_shared>> -> memref<10112x128xf32, #tpu.memory_space<vmem_shared>>
    tpu.enqueue_indirect_dma source(%arg11 : memref<128x128xf32, #tpu.memory_space<vmem>>) target(%dma_start3A_54 : memref<10112x128xf32, #tpu.memory_space<vmem_shared>>) offsets(%dma_start3A_51 : memref<128xi32, #tpu.memory_space<vmem>>) semaphore(%arg24 : memref<!tpu.dma_semaphore, #tpu.memory_space<semaphore_mem>>) {add = true}
    %add3A_55 = arith.constant 2432 : i32
    %add3A_56 = arith.addi %add3A_55, %add3A : i32
    %mul3A_57 = arith.constant 128 : i32
    %mul3A_58 = arith.muli %add3A_56, %mul3A_57 : i32
    %multiple_of3A_59 = tpu.assume_multiple %mul3A_58, 128 : i32
    %dma_wait3A_60 = arith.constant 0 : i32
    %dma_wait3A_61 = tpu.memref_slice %arg6[%multiple_of3A_59, %dma_wait3A_60] : memref<320000x128xf32, #tpu.memory_space<hbm>> -> memref<128x128xf32, #tpu.memory_space<hbm>>
    %dma_wait3A_62 = arith.constant 0 : i32
    %dma_wait3A_63 = tpu.memref_slice %arg6[%multiple_of3A_59, %dma_wait3A_62] : memref<320000x128xf32, #tpu.memory_space<hbm>> -> memref<128x128xf32, #tpu.memory_space<hbm>>
    tpu.wait_dma2 semaphore(%arg17 : memref<!tpu.dma_semaphore, #tpu.memory_space<semaphore_mem>>) src(%arg10 : memref<128x128xf32, #tpu.memory_space<vmem>>) dst(%dma_wait3A_63 : memref<128x128xf32, #tpu.memory_space<hbm>>)
    %dma_wait3A_64 = arith.constant 1 : i32
    %dma_wait3A_65 = arith.constant 0 : i32
    %dma_wait3A_66 = tpu.memref_slice %arg8[%dma_wait3A_64, %dma_wait3A_65] : memref<2x128xi32, #tpu.memory_space<vmem>> -> memref<1x128xi32, #tpu.memory_space<vmem>>
    %dma_wait3A_67 = tpu.memref_squeeze %dma_wait3A_66 : memref<1x128xi32, #tpu.memory_space<vmem>> -> memref<128xi32, #tpu.memory_space<vmem>>
    %dma_wait3A_68 = arith.constant 0 : i32
    %dma_wait3A_69 = arith.constant 0 : i32
    %dma_wait3A_70 = tpu.memref_slice %arg12[%dma_wait3A_68, %dma_wait3A_69] : memref<10112x128xf32, #tpu.memory_space<vmem_shared>> -> memref<10112x128xf32, #tpu.memory_space<vmem_shared>>
    tpu.wait_indirect_dma semaphore(%arg18 : memref<!tpu.dma_semaphore, #tpu.memory_space<semaphore_mem>>) src(%arg10 : memref<128x128xf32, #tpu.memory_space<vmem>>) dst(%dma_wait3A_70 : memref<10112x128xf32, #tpu.memory_space<vmem_shared>>)
    %add3A_71 = arith.constant 2464 : i32
    %add3A_72 = arith.addi %add3A_71, %add3A : i32
    %mul3A_73 = arith.constant 128 : i32
    %mul3A_74 = arith.muli %add3A_72, %mul3A_73 : i32
    %multiple_of3A_75 = tpu.assume_multiple %mul3A_74, 128 : i32
    %dma_wait3A_76 = arith.constant 0 : i32
    %dma_wait3A_77 = tpu.memref_slice %arg6[%multiple_of3A_75, %dma_wait3A_76] : memref<320000x128xf32, #tpu.memory_space<hbm>> -> memref<128x128xf32, #tpu.memory_space<hbm>>
    %dma_wait3A_78 = arith.constant 0 : i32
    %dma_wait3A_79 = tpu.memref_slice %arg6[%multiple_of3A_75, %dma_wait3A_78] : memref<320000x128xf32, #tpu.memory_space<hbm>> -> memref<128x128xf32, #tpu.memory_space<hbm>>
    tpu.wait_dma2 semaphore(%arg23 : memref<!tpu.dma_semaphore, #tpu.memory_space<semaphore_mem>>) src(%arg11 : memref<128x128xf32, #tpu.memory_space<vmem>>) dst(%dma_wait3A_79 : memref<128x128xf32, #tpu.memory_space<hbm>>)
    %dma_wait3A_80 = arith.constant 1 : i32
    %dma_wait3A_81 = arith.constant 0 : i32
    %dma_wait3A_82 = tpu.memref_slice %arg9[%dma_wait3A_80, %dma_wait3A_81] : memref<2x128xi32, #tpu.memory_space<vmem>> -> memref<1x128xi32, #tpu.memory_space<vmem>>
    %dma_wait3A_83 = tpu.memref_squeeze %dma_wait3A_82 : memref<1x128xi32, #tpu.memory_space<vmem>> -> memref<128xi32, #tpu.memory_space<vmem>>
    %dma_wait3A_84 = arith.constant 0 : i32
    %dma_wait3A_85 = arith.constant 0 : i32
    %dma_wait3A_86 = tpu.memref_slice %arg12[%dma_wait3A_84, %dma_wait3A_85] : memref<10112x128xf32, #tpu.memory_space<vmem_shared>> -> memref<10112x128xf32, #tpu.memory_space<vmem_shared>>
    tpu.wait_indirect_dma semaphore(%arg24 : memref<!tpu.dma_semaphore, #tpu.memory_space<semaphore_mem>>) src(%arg11 : memref<128x128xf32, #tpu.memory_space<vmem>>) dst(%dma_wait3A_86 : memref<10112x128xf32, #tpu.memory_space<vmem_shared>>)
    %lt3A = arith.constant 4 : i32
    %lt3A_87 = arith.cmpi slt, %add3A, %lt3A : i32
    %convert_element_type3A = arith.extui %lt3A_87 : i1 to i32
    %cond3A = arith.constant 0 : i32
    %cond3A_88 = arith.cmpi ne, %convert_element_type3A, %cond3A : i32
    scf.if %cond3A_88 {
      %add3A_102 = arith.constant 2496 : i32
      %add3A_103 = arith.addi %add3A_102, %add3A : i32
      %mul3A_104 = arith.constant 128 : i32
      %mul3A_105 = arith.muli %add3A_103, %mul3A_104 : i32
      %multiple_of3A_106 = tpu.assume_multiple %mul3A_105, 128 : i32
      %dma_start3A_107 = arith.constant 0 : i32
      %dma_start3A_108 = tpu.memref_slice %arg4[%multiple_of3A_106, %dma_start3A_107] : memref<320000x128xf32, #tpu.memory_space<hbm>> -> memref<128x128xf32, #tpu.memory_space<hbm>>
      %dma_start3A_109 = arith.constant 0 : i32
      %dma_start3A_110 = tpu.memref_slice %arg4[%multiple_of3A_106, %dma_start3A_109] : memref<320000x128xf32, #tpu.memory_space<hbm>> -> memref<128x128xf32, #tpu.memory_space<hbm>>
      tpu.enqueue_dma source(%dma_start3A_110 : memref<128x128xf32, #tpu.memory_space<hbm>>) target(%arg10 : memref<128x128xf32, #tpu.memory_space<vmem>>) target_semaphore(%arg13 : memref<!tpu.dma_semaphore, #tpu.memory_space<semaphore_mem>>)
      %mul3A_111 = arith.constant 80 : i32
      %mul3A_112 = arith.muli %add3A, %mul3A_111 : i32
      %add3A_113 = arith.constant 78 : i32
      %add3A_114 = arith.addi %mul3A_112, %add3A_113 : i32
      %dma_start3A_115 = arith.constant 0 : i32
      %dma_start3A_116 = arith.constant 0 : i32
      %dma_start3A_117 = tpu.memref_slice %arg5[%add3A_114, %dma_start3A_115, %dma_start3A_116] : memref<2560x2x128xi32, #tpu.memory_space<hbm>> -> memref<1x2x128xi32, #tpu.memory_space<hbm>>
      %dma_start3A_118 = tpu.memref_squeeze %dma_start3A_117 : memref<1x2x128xi32, #tpu.memory_space<hbm>> -> memref<2x128xi32, #tpu.memory_space<hbm>>
      %dma_start3A_119 = arith.constant 0 : i32
      %dma_start3A_120 = arith.constant 0 : i32
      %dma_start3A_121 = tpu.memref_slice %arg5[%add3A_114, %dma_start3A_119, %dma_start3A_120] : memref<2560x2x128xi32, #tpu.memory_space<hbm>> -> memref<1x2x128xi32, #tpu.memory_space<hbm>>
      %dma_start3A_122 = tpu.memref_squeeze %dma_start3A_121 : memref<1x2x128xi32, #tpu.memory_space<hbm>> -> memref<2x128xi32, #tpu.memory_space<hbm>>
      tpu.enqueue_dma source(%dma_start3A_122 : memref<2x128xi32, #tpu.memory_space<hbm>>) target(%arg8 : memref<2x128xi32, #tpu.memory_space<vmem>>) target_semaphore(%arg14 : memref<!tpu.dma_semaphore, #tpu.memory_space<semaphore_mem>>)
      %add3A_123 = arith.constant 2496 : i32
      %add3A_124 = arith.addi %add3A_123, %add3A : i32
      %mul3A_125 = arith.constant 128 : i32
      %mul3A_126 = arith.muli %add3A_124, %mul3A_125 : i32
      %multiple_of3A_127 = tpu.assume_multiple %mul3A_126, 128 : i32
      %dma_wait3A_128 = arith.constant 0 : i32
      %dma_wait3A_129 = tpu.memref_slice %arg4[%multiple_of3A_127, %dma_wait3A_128] : memref<320000x128xf32, #tpu.memory_space<hbm>> -> memref<128x128xf32, #tpu.memory_space<hbm>>
      %dma_wait3A_130 = arith.constant 0 : i32
      %dma_wait3A_131 = tpu.memref_slice %arg4[%multiple_of3A_127, %dma_wait3A_130] : memref<320000x128xf32, #tpu.memory_space<hbm>> -> memref<128x128xf32, #tpu.memory_space<hbm>>
      tpu.wait_dma2 semaphore(%arg13 : memref<!tpu.dma_semaphore, #tpu.memory_space<semaphore_mem>>) src(%dma_wait3A_131 : memref<128x128xf32, #tpu.memory_space<hbm>>) dst(%arg10 : memref<128x128xf32, #tpu.memory_space<vmem>>)
      %mul3A_132 = arith.constant 80 : i32
      %mul3A_133 = arith.muli %add3A, %mul3A_132 : i32
      %add3A_134 = arith.constant 78 : i32
      %add3A_135 = arith.addi %mul3A_133, %add3A_134 : i32
      %dma_wait3A_136 = arith.constant 0 : i32
      %dma_wait3A_137 = arith.constant 0 : i32
      %dma_wait3A_138 = tpu.memref_slice %arg5[%add3A_135, %dma_wait3A_136, %dma_wait3A_137] : memref<2560x2x128xi32, #tpu.memory_space<hbm>> -> memref<1x2x128xi32, #tpu.memory_space<hbm>>
      %dma_wait3A_139 = tpu.memref_squeeze %dma_wait3A_138 : memref<1x2x128xi32, #tpu.memory_space<hbm>> -> memref<2x128xi32, #tpu.memory_space<hbm>>
      %dma_wait3A_140 = arith.constant 0 : i32
      %dma_wait3A_141 = arith.constant 0 : i32
      %dma_wait3A_142 = tpu.memref_slice %arg5[%add3A_135, %dma_wait3A_140, %dma_wait3A_141] : memref<2560x2x128xi32, #tpu.memory_space<hbm>> -> memref<1x2x128xi32, #tpu.memory_space<hbm>>
      %dma_wait3A_143 = tpu.memref_squeeze %dma_wait3A_142 : memref<1x2x128xi32, #tpu.memory_space<hbm>> -> memref<2x128xi32, #tpu.memory_space<hbm>>
      tpu.wait_dma2 semaphore(%arg14 : memref<!tpu.dma_semaphore, #tpu.memory_space<semaphore_mem>>) src(%dma_wait3A_143 : memref<2x128xi32, #tpu.memory_space<hbm>>) dst(%arg8 : memref<2x128xi32, #tpu.memory_space<vmem>>)
      %dma_start3A_144 = arith.constant 0 : i32
      %dma_start3A_145 = arith.constant 0 : i32
      %dma_start3A_146 = tpu.memref_slice %arg8[%dma_start3A_144, %dma_start3A_145] : memref<2x128xi32, #tpu.memory_space<vmem>> -> memref<1x128xi32, #tpu.memory_space<vmem>>
      %dma_start3A_147 = tpu.memref_squeeze %dma_start3A_146 : memref<1x128xi32, #tpu.memory_space<vmem>> -> memref<128xi32, #tpu.memory_space<vmem>>
      %dma_start3A_148 = arith.constant 0 : i32
      %dma_start3A_149 = arith.constant 0 : i32
      %dma_start3A_150 = tpu.memref_slice %arg2[%dma_start3A_148, %dma_start3A_149] : memref<10000x128xf32, #tpu.memory_space<hbm>> -> memref<10000x128xf32, #tpu.memory_space<hbm>>
      tpu.enqueue_indirect_dma source(%dma_start3A_150 : memref<10000x128xf32, #tpu.memory_space<hbm>>) target(%arg10 : memref<128x128xf32, #tpu.memory_space<vmem>>) offsets(%dma_start3A_147 : memref<128xi32, #tpu.memory_space<vmem>>) semaphore(%arg15 : memref<!tpu.dma_semaphore, #tpu.memory_space<semaphore_mem>>) {add = true}
      %dma_start3A_151 = arith.constant 1 : i32
      %dma_start3A_152 = arith.constant 0 : i32
      %dma_start3A_153 = tpu.memref_slice %arg8[%dma_start3A_151, %dma_start3A_152] : memref<2x128xi32, #tpu.memory_space<vmem>> -> memref<1x128xi32, #tpu.memory_space<vmem>>
      %dma_start3A_154 = tpu.memref_squeeze %dma_start3A_153 : memref<1x128xi32, #tpu.memory_space<vmem>> -> memref<128xi32, #tpu.memory_space<vmem>>
      %dma_start3A_155 = arith.constant 0 : i32
      %dma_start3A_156 = arith.constant 0 : i32
      %dma_start3A_157 = tpu.memref_slice %arg3[%dma_start3A_155, %dma_start3A_156] : memref<10000x128xf32, #tpu.memory_space<hbm>> -> memref<10000x128xf32, #tpu.memory_space<hbm>>
      tpu.enqueue_indirect_dma source(%dma_start3A_157 : memref<10000x128xf32, #tpu.memory_space<hbm>>) target(%arg10 : memref<128x128xf32, #tpu.memory_space<vmem>>) offsets(%dma_start3A_154 : memref<128xi32, #tpu.memory_space<vmem>>) semaphore(%arg16 : memref<!tpu.dma_semaphore, #tpu.memory_space<semaphore_mem>>) {add = true}
      %dma_wait3A_158 = arith.constant 0 : i32
      %dma_wait3A_159 = arith.constant 0 : i32
      %dma_wait3A_160 = tpu.memref_slice %arg8[%dma_wait3A_158, %dma_wait3A_159] : memref<2x128xi32, #tpu.memory_space<vmem>> -> memref<1x128xi32, #tpu.memory_space<vmem>>
      %dma_wait3A_161 = tpu.memref_squeeze %dma_wait3A_160 : memref<1x128xi32, #tpu.memory_space<vmem>> -> memref<128xi32, #tpu.memory_space<vmem>>
      %dma_wait3A_162 = arith.constant 0 : i32
      %dma_wait3A_163 = arith.constant 0 : i32
      %dma_wait3A_164 = tpu.memref_slice %arg2[%dma_wait3A_162, %dma_wait3A_163] : memref<10000x128xf32, #tpu.memory_space<hbm>> -> memref<10000x128xf32, #tpu.memory_space<hbm>>
      tpu.wait_indirect_dma semaphore(%arg15 : memref<!tpu.dma_semaphore, #tpu.memory_space<semaphore_mem>>) src(%dma_wait3A_164 : memref<10000x128xf32, #tpu.memory_space<hbm>>) dst(%arg10 : memref<128x128xf32, #tpu.memory_space<vmem>>)
      %dma_wait3A_165 = arith.constant 1 : i32
      %dma_wait3A_166 = arith.constant 0 : i32
      %dma_wait3A_167 = tpu.memref_slice %arg8[%dma_wait3A_165, %dma_wait3A_166] : memref<2x128xi32, #tpu.memory_space<vmem>> -> memref<1x128xi32, #tpu.memory_space<vmem>>
      %dma_wait3A_168 = tpu.memref_squeeze %dma_wait3A_167 : memref<1x128xi32, #tpu.memory_space<vmem>> -> memref<128xi32, #tpu.memory_space<vmem>>
      %dma_wait3A_169 = arith.constant 0 : i32
      %dma_wait3A_170 = arith.constant 0 : i32
      %dma_wait3A_171 = tpu.memref_slice %arg3[%dma_wait3A_169, %dma_wait3A_170] : memref<10000x128xf32, #tpu.memory_space<hbm>> -> memref<10000x128xf32, #tpu.memory_space<hbm>>
      tpu.wait_indirect_dma semaphore(%arg16 : memref<!tpu.dma_semaphore, #tpu.memory_space<semaphore_mem>>) src(%dma_wait3A_171 : memref<10000x128xf32, #tpu.memory_space<hbm>>) dst(%arg10 : memref<128x128xf32, #tpu.memory_space<vmem>>)
      %parallel_loop3A_172 = arith.constant 0 : i32
      %parallel_loop3A_173 = arith.constant 128 : i32
      %parallel_loop3A_174 = arith.constant 1 : i32
      scf.for %parallel_loop3A_207 = %parallel_loop3A_172 to %parallel_loop3A_173 step %parallel_loop3A_174  : i32 {
        %parallel_loop3A_208 = arith.index_cast %parallel_loop3A_207 : i32 to index
        %parallel_loop3A_209 = arith.constant 0 : index
        %parallel_loop3A_210 = tpu.vector_load %arg10[%parallel_loop3A_208, %parallel_loop3A_209] {strides = array<i32>} : memref<128x128xf32, #tpu.memory_space<vmem>>, vector<1x16xf32>,
        %parallel_loop3A_211 = vector.shape_cast %parallel_loop3A_210 : vector<1x16xf32> to vector<16xf32>
        %parallel_loop3A_212 = arith.constant 0.000000e+00 : f32
        %parallel_loop3A_213 = vector.broadcast %parallel_loop3A_212 : f32 to vector<16xf32>
        %parallel_loop3A_214 = arith.maximumf %parallel_loop3A_211, %parallel_loop3A_213 : vector<16xf32>
        %parallel_loop3A_215 = arith.index_cast %parallel_loop3A_207 : i32 to index
        %parallel_loop3A_216 = arith.constant 0 : index
        %parallel_loop3A_217 = tpu.vector_load %arg10[%parallel_loop3A_215, %parallel_loop3A_216] {strides = array<i32>} : memref<128x128xf32, #tpu.memory_space<vmem>>, vector<1x16xf32>,
        %parallel_loop3A_218 = vector.shape_cast %parallel_loop3A_217 : vector<1x16xf32> to vector<16xf32>
        %parallel_loop3A_219 = vector.shape_cast %parallel_loop3A_214 : vector<16xf32> to vector<1x16xf32>
        tpu.vector_store %arg10[%parallel_loop3A_215, %parallel_loop3A_216], %parallel_loop3A_219 {strides = array<i32>} : memref<128x128xf32, #tpu.memory_space<vmem>>, vector<1x16xf32>,
        %parallel_loop3A_220 = arith.index_cast %parallel_loop3A_207 : i32 to index
        %parallel_loop3A_221 = arith.constant 16 : index
        %parallel_loop3A_222 = tpu.vector_load %arg10[%parallel_loop3A_220, %parallel_loop3A_221] {strides = array<i32>} : memref<128x128xf32, #tpu.memory_space<vmem>>, vector<1x16xf32>,
        %parallel_loop3A_223 = vector.shape_cast %parallel_loop3A_222 : vector<1x16xf32> to vector<16xf32>
        %parallel_loop3A_224 = arith.constant 0.000000e+00 : f32
        %parallel_loop3A_225 = vector.broadcast %parallel_loop3A_224 : f32 to vector<16xf32>
        %parallel_loop3A_226 = arith.maximumf %parallel_loop3A_223, %parallel_loop3A_225 : vector<16xf32>
        %parallel_loop3A_227 = arith.index_cast %parallel_loop3A_207 : i32 to index
        %parallel_loop3A_228 = arith.constant 16 : index
        %parallel_loop3A_229 = tpu.vector_load %arg10[%parallel_loop3A_227, %parallel_loop3A_228] {strides = array<i32>} : memref<128x128xf32, #tpu.memory_space<vmem>>, vector<1x16xf32>,
        %parallel_loop3A_230 = vector.shape_cast %parallel_loop3A_229 : vector<1x16xf32> to vector<16xf32>
        %parallel_loop3A_231 = vector.shape_cast %parallel_loop3A_226 : vector<16xf32> to vector<1x16xf32>
        tpu.vector_store %arg10[%parallel_loop3A_227, %parallel_loop3A_228], %parallel_loop3A_231 {strides = array<i32>} : memref<128x128xf32, #tpu.memory_space<vmem>>, vector<1x16xf32>,
        %parallel_loop3A_232 = arith.index_cast %parallel_loop3A_207 : i32 to index
        %parallel_loop3A_233 = arith.constant 32 : index
        %parallel_loop3A_234 = tpu.vector_load %arg10[%parallel_loop3A_232, %parallel_loop3A_233] {strides = array<i32>} : memref<128x128xf32, #tpu.memory_space<vmem>>, vector<1x16xf32>,
        %parallel_loop3A_235 = vector.shape_cast %parallel_loop3A_234 : vector<1x16xf32> to vector<16xf32>
        %parallel_loop3A_236 = arith.constant 0.000000e+00 : f32
        %parallel_loop3A_237 = vector.broadcast %parallel_loop3A_236 : f32 to vector<16xf32>
        %parallel_loop3A_238 = arith.maximumf %parallel_loop3A_235, %parallel_loop3A_237 : vector<16xf32>
        %parallel_loop3A_239 = arith.index_cast %parallel_loop3A_207 : i32 to index
        %parallel_loop3A_240 = arith.constant 32 : index
        %parallel_loop3A_241 = tpu.vector_load %arg10[%parallel_loop3A_239, %parallel_loop3A_240] {strides = array<i32>} : memref<128x128xf32, #tpu.memory_space<vmem>>, vector<1x16xf32>,
        %parallel_loop3A_242 = vector.shape_cast %parallel_loop3A_241 : vector<1x16xf32> to vector<16xf32>
        %parallel_loop3A_243 = vector.shape_cast %parallel_loop3A_238 : vector<16xf32> to vector<1x16xf32>
        tpu.vector_store %arg10[%parallel_loop3A_239, %parallel_loop3A_240], %parallel_loop3A_243 {strides = array<i32>} : memref<128x128xf32, #tpu.memory_space<vmem>>, vector<1x16xf32>,
        %parallel_loop3A_244 = arith.index_cast %parallel_loop3A_207 : i32 to index
        %parallel_loop3A_245 = arith.constant 48 : index
        %parallel_loop3A_246 = tpu.vector_load %arg10[%parallel_loop3A_244, %parallel_loop3A_245] {strides = array<i32>} : memref<128x128xf32, #tpu.memory_space<vmem>>, vector<1x16xf32>,
        %parallel_loop3A_247 = vector.shape_cast %parallel_loop3A_246 : vector<1x16xf32> to vector<16xf32>
        %parallel_loop3A_248 = arith.constant 0.000000e+00 : f32
        %parallel_loop3A_249 = vector.broadcast %parallel_loop3A_248 : f32 to vector<16xf32>
        %parallel_loop3A_250 = arith.maximumf %parallel_loop3A_247, %parallel_loop3A_249 : vector<16xf32>
        %parallel_loop3A_251 = arith.index_cast %parallel_loop3A_207 : i32 to index
        %parallel_loop3A_252 = arith.constant 48 : index
        %parallel_loop3A_253 = tpu.vector_load %arg10[%parallel_loop3A_251, %parallel_loop3A_252] {strides = array<i32>} : memref<128x128xf32, #tpu.memory_space<vmem>>, vector<1x16xf32>,
        %parallel_loop3A_254 = vector.shape_cast %parallel_loop3A_253 : vector<1x16xf32> to vector<16xf32>
        %parallel_loop3A_255 = vector.shape_cast %parallel_loop3A_250 : vector<16xf32> to vector<1x16xf32>
        tpu.vector_store %arg10[%parallel_loop3A_251, %parallel_loop3A_252], %parallel_loop3A_255 {strides = array<i32>} : memref<128x128xf32, #tpu.memory_space<vmem>>, vector<1x16xf32>,
        %parallel_loop3A_256 = arith.index_cast %parallel_loop3A_207 : i32 to index
        %parallel_loop3A_257 = arith.constant 64 : index
        %parallel_loop3A_258 = tpu.vector_load %arg10[%parallel_loop3A_256, %parallel_loop3A_257] {strides = array<i32>} : memref<128x128xf32, #tpu.memory_space<vmem>>, vector<1x16xf32>,
        %parallel_loop3A_259 = vector.shape_cast %parallel_loop3A_258 : vector<1x16xf32> to vector<16xf32>
        %parallel_loop3A_260 = arith.constant 0.000000e+00 : f32
        %parallel_loop3A_261 = vector.broadcast %parallel_loop3A_260 : f32 to vector<16xf32>
        %parallel_loop3A_262 = arith.maximumf %parallel_loop3A_259, %parallel_loop3A_261 : vector<16xf32>
        %parallel_loop3A_263 = arith.index_cast %parallel_loop3A_207 : i32 to index
        %parallel_loop3A_264 = arith.constant 64 : index
        %parallel_loop3A_265 = tpu.vector_load %arg10[%parallel_loop3A_263, %parallel_loop3A_264] {strides = array<i32>} : memref<128x128xf32, #tpu.memory_space<vmem>>, vector<1x16xf32>,
        %parallel_loop3A_266 = vector.shape_cast %parallel_loop3A_265 : vector<1x16xf32> to vector<16xf32>
        %parallel_loop3A_267 = vector.shape_cast %parallel_loop3A_262 : vector<16xf32> to vector<1x16xf32>
        tpu.vector_store %arg10[%parallel_loop3A_263, %parallel_loop3A_264], %parallel_loop3A_267 {strides = array<i32>} : memref<128x128xf32, #tpu.memory_space<vmem>>, vector<1x16xf32>,
        %parallel_loop3A_268 = arith.index_cast %parallel_loop3A_207 : i32 to index
        %parallel_loop3A_269 = arith.constant 80 : index
        %parallel_loop3A_270 = tpu.vector_load %arg10[%parallel_loop3A_268, %parallel_loop3A_269] {strides = array<i32>} : memref<128x128xf32, #tpu.memory_space<vmem>>, vector<1x16xf32>,
        %parallel_loop3A_271 = vector.shape_cast %parallel_loop3A_270 : vector<1x16xf32> to vector<16xf32>
        %parallel_loop3A_272 = arith.constant 0.000000e+00 : f32
        %parallel_loop3A_273 = vector.broadcast %parallel_loop3A_272 : f32 to vector<16xf32>
        %parallel_loop3A_274 = arith.maximumf %parallel_loop3A_271, %parallel_loop3A_273 : vector<16xf32>
        %parallel_loop3A_275 = arith.index_cast %parallel_loop3A_207 : i32 to index
        %parallel_loop3A_276 = arith.constant 80 : index
        %parallel_loop3A_277 = tpu.vector_load %arg10[%parallel_loop3A_275, %parallel_loop3A_276] {strides = array<i32>} : memref<128x128xf32, #tpu.memory_space<vmem>>, vector<1x16xf32>,
        %parallel_loop3A_278 = vector.shape_cast %parallel_loop3A_277 : vector<1x16xf32> to vector<16xf32>
        %parallel_loop3A_279 = vector.shape_cast %parallel_loop3A_274 : vector<16xf32> to vector<1x16xf32>
        tpu.vector_store %arg10[%parallel_loop3A_275, %parallel_loop3A_276], %parallel_loop3A_279 {strides = array<i32>} : memref<128x128xf32, #tpu.memory_space<vmem>>, vector<1x16xf32>,
        %parallel_loop3A_280 = arith.index_cast %parallel_loop3A_207 : i32 to index
        %parallel_loop3A_281 = arith.constant 96 : index
        %parallel_loop3A_282 = tpu.vector_load %arg10[%parallel_loop3A_280, %parallel_loop3A_281] {strides = array<i32>} : memref<128x128xf32, #tpu.memory_space<vmem>>, vector<1x16xf32>,
        %parallel_loop3A_283 = vector.shape_cast %parallel_loop3A_282 : vector<1x16xf32> to vector<16xf32>
        %parallel_loop3A_284 = arith.constant 0.000000e+00 : f32
        %parallel_loop3A_285 = vector.broadcast %parallel_loop3A_284 : f32 to vector<16xf32>
        %parallel_loop3A_286 = arith.maximumf %parallel_loop3A_283, %parallel_loop3A_285 : vector<16xf32>
        %parallel_loop3A_287 = arith.index_cast %parallel_loop3A_207 : i32 to index
        %parallel_loop3A_288 = arith.constant 96 : index
        %parallel_loop3A_289 = tpu.vector_load %arg10[%parallel_loop3A_287, %parallel_loop3A_288] {strides = array<i32>} : memref<128x128xf32, #tpu.memory_space<vmem>>, vector<1x16xf32>,
        %parallel_loop3A_290 = vector.shape_cast %parallel_loop3A_289 : vector<1x16xf32> to vector<16xf32>
        %parallel_loop3A_291 = vector.shape_cast %parallel_loop3A_286 : vector<16xf32> to vector<1x16xf32>
        tpu.vector_store %arg10[%parallel_loop3A_287, %parallel_loop3A_288], %parallel_loop3A_291 {strides = array<i32>} : memref<128x128xf32, #tpu.memory_space<vmem>>, vector<1x16xf32>,
        %parallel_loop3A_292 = arith.index_cast %parallel_loop3A_207 : i32 to index
        %parallel_loop3A_293 = arith.constant 112 : index
        %parallel_loop3A_294 = tpu.vector_load %arg10[%parallel_loop3A_292, %parallel_loop3A_293] {strides = array<i32>} : memref<128x128xf32, #tpu.memory_space<vmem>>, vector<1x16xf32>,
        %parallel_loop3A_295 = vector.shape_cast %parallel_loop3A_294 : vector<1x16xf32> to vector<16xf32>
        %parallel_loop3A_296 = arith.constant 0.000000e+00 : f32
        %parallel_loop3A_297 = vector.broadcast %parallel_loop3A_296 : f32 to vector<16xf32>
        %parallel_loop3A_298 = arith.maximumf %parallel_loop3A_295, %parallel_loop3A_297 : vector<16xf32>
        %parallel_loop3A_299 = arith.index_cast %parallel_loop3A_207 : i32 to index
        %parallel_loop3A_300 = arith.constant 112 : index
        %parallel_loop3A_301 = tpu.vector_load %arg10[%parallel_loop3A_299, %parallel_loop3A_300] {strides = array<i32>} : memref<128x128xf32, #tpu.memory_space<vmem>>, vector<1x16xf32>,
        %parallel_loop3A_302 = vector.shape_cast %parallel_loop3A_301 : vector<1x16xf32> to vector<16xf32>
        %parallel_loop3A_303 = vector.shape_cast %parallel_loop3A_298 : vector<16xf32> to vector<1x16xf32>
        tpu.vector_store %arg10[%parallel_loop3A_299, %parallel_loop3A_300], %parallel_loop3A_303 {strides = array<i32>} : memref<128x128xf32, #tpu.memory_space<vmem>>, vector<1x16xf32>,
      } {sc.loop_unroll_factor = 1 : i64, sc.parallel_access}
      %add3A_175 = arith.constant 2496 : i32
      %add3A_176 = arith.addi %add3A_175, %add3A : i32
      %mul3A_177 = arith.constant 128 : i32
      %mul3A_178 = arith.muli %add3A_176, %mul3A_177 : i32
      %multiple_of3A_179 = tpu.assume_multiple %mul3A_178, 128 : i32
      %dma_start3A_180 = arith.constant 0 : i32
      %dma_start3A_181 = tpu.memref_slice %arg6[%multiple_of3A_179, %dma_start3A_180] : memref<320000x128xf32, #tpu.memory_space<hbm>> -> memref<128x128xf32, #tpu.memory_space<hbm>>
      %dma_start3A_182 = arith.constant 0 : i32
      %dma_start3A_183 = tpu.memref_slice %arg6[%multiple_of3A_179, %dma_start3A_182] : memref<320000x128xf32, #tpu.memory_space<hbm>> -> memref<128x128xf32, #tpu.memory_space<hbm>>
      tpu.enqueue_dma source(%arg10 : memref<128x128xf32, #tpu.memory_space<vmem>>) target(%dma_start3A_183 : memref<128x128xf32, #tpu.memory_space<hbm>>) target_semaphore(%arg17 : memref<!tpu.dma_semaphore, #tpu.memory_space<semaphore_mem>>)
      %dma_start3A_184 = arith.constant 1 : i32
      %dma_start3A_185 = arith.constant 0 : i32
      %dma_start3A_186 = tpu.memref_slice %arg8[%dma_start3A_184, %dma_start3A_185] : memref<2x128xi32, #tpu.memory_space<vmem>> -> memref<1x128xi32, #tpu.memory_space<vmem>>
      %dma_start3A_187 = tpu.memref_squeeze %dma_start3A_186 : memref<1x128xi32, #tpu.memory_space<vmem>> -> memref<128xi32, #tpu.memory_space<vmem>>
      %dma_start3A_188 = arith.constant 0 : i32
      %dma_start3A_189 = arith.constant 0 : i32
      %dma_start3A_190 = tpu.memref_slice %arg12[%dma_start3A_188, %dma_start3A_189] : memref<10112x128xf32, #tpu.memory_space<vmem_shared>> -> memref<10112x128xf32, #tpu.memory_space<vmem_shared>>
      tpu.enqueue_indirect_dma source(%arg10 : memref<128x128xf32, #tpu.memory_space<vmem>>) target(%dma_start3A_190 : memref<10112x128xf32, #tpu.memory_space<vmem_shared>>) offsets(%dma_start3A_187 : memref<128xi32, #tpu.memory_space<vmem>>) semaphore(%arg18 : memref<!tpu.dma_semaphore, #tpu.memory_space<semaphore_mem>>) {add = true}
      %add3A_191 = arith.constant 2496 : i32
      %add3A_192 = arith.addi %add3A_191, %add3A : i32
      %mul3A_193 = arith.constant 128 : i32
      %mul3A_194 = arith.muli %add3A_192, %mul3A_193 : i32
      %multiple_of3A_195 = tpu.assume_multiple %mul3A_194, 128 : i32
      %dma_wait3A_196 = arith.constant 0 : i32
      %dma_wait3A_197 = tpu.memref_slice %arg6[%multiple_of3A_195, %dma_wait3A_196] : memref<320000x128xf32, #tpu.memory_space<hbm>> -> memref<128x128xf32, #tpu.memory_space<hbm>>
      %dma_wait3A_198 = arith.constant 0 : i32
      %dma_wait3A_199 = tpu.memref_slice %arg6[%multiple_of3A_195, %dma_wait3A_198] : memref<320000x128xf32, #tpu.memory_space<hbm>> -> memref<128x128xf32, #tpu.memory_space<hbm>>
      tpu.wait_dma2 semaphore(%arg17 : memref<!tpu.dma_semaphore, #tpu.memory_space<semaphore_mem>>) src(%arg10 : memref<128x128xf32, #tpu.memory_space<vmem>>) dst(%dma_wait3A_199 : memref<128x128xf32, #tpu.memory_space<hbm>>)
      %dma_wait3A_200 = arith.constant 1 : i32
      %dma_wait3A_201 = arith.constant 0 : i32
      %dma_wait3A_202 = tpu.memref_slice %arg8[%dma_wait3A_200, %dma_wait3A_201] : memref<2x128xi32, #tpu.memory_space<vmem>> -> memref<1x128xi32, #tpu.memory_space<vmem>>
      %dma_wait3A_203 = tpu.memref_squeeze %dma_wait3A_202 : memref<1x128xi32, #tpu.memory_space<vmem>> -> memref<128xi32, #tpu.memory_space<vmem>>
      %dma_wait3A_204 = arith.constant 0 : i32
      %dma_wait3A_205 = arith.constant 0 : i32
      %dma_wait3A_206 = tpu.memref_slice %arg12[%dma_wait3A_204, %dma_wait3A_205] : memref<10112x128xf32, #tpu.memory_space<vmem_shared>> -> memref<10112x128xf32, #tpu.memory_space<vmem_shared>>
      tpu.wait_indirect_dma semaphore(%arg18 : memref<!tpu.dma_semaphore, #tpu.memory_space<semaphore_mem>>) src(%arg10 : memref<128x128xf32, #tpu.memory_space<vmem>>) dst(%dma_wait3A_206 : memref<10112x128xf32, #tpu.memory_space<vmem_shared>>)
    } else {
    }
    %barrier3A_89 = arith.constant 0 : index
    tpu.barrier barrier_id(%barrier3A_89)
    %mul3A_90 = arith.constant 632 : i32
    %mul3A_91 = arith.muli %arg1, %mul3A_90 : i32
    "tpu.region"() ({
      %run_scoped3A = tpu.sem_alloc : memref<!tpu.dma_semaphore, #tpu.memory_space<semaphore_mem>>
      %dma_start3A_102 = arith.constant 0 : i32
      %dma_start3A_103 = arith.constant 0 : i32
      %dma_start3A_104 = tpu.memref_slice %arg10[%dma_start3A_102, %dma_start3A_103] : memref<128x128xf32, #tpu.memory_space<vmem>> -> memref<128x128xf32, #tpu.memory_space<vmem>>
      %dma_start3A_105 = arith.constant 0 : i32
      %dma_start3A_106 = tpu.memref_slice %arg12[%mul3A_91, %dma_start3A_105] : memref<10112x128xf32, #tpu.memory_space<vmem_shared>> -> memref<128x128xf32, #tpu.memory_space<vmem_shared>>
      %dma_start3A_107 = arith.constant 0 : i32
      %dma_start3A_108 = arith.constant 0 : i32
      %dma_start3A_109 = tpu.memref_slice %arg10[%dma_start3A_107, %dma_start3A_108] : memref<128x128xf32, #tpu.memory_space<vmem>> -> memref<128x128xf32, #tpu.memory_space<vmem>>
      %dma_start3A_110 = arith.constant 0 : i32
      %dma_start3A_111 = tpu.memref_slice %arg12[%mul3A_91, %dma_start3A_110] : memref<10112x128xf32, #tpu.memory_space<vmem_shared>> -> memref<128x128xf32, #tpu.memory_space<vmem_shared>>
      tpu.enqueue_dma source(%dma_start3A_111 : memref<128x128xf32, #tpu.memory_space<vmem_shared>>) target(%dma_start3A_109 : memref<128x128xf32, #tpu.memory_space<vmem>>) target_semaphore(%run_scoped3A : memref<!tpu.dma_semaphore, #tpu.memory_space<semaphore_mem>>)
      %dma_wait3A_112 = arith.constant 0 : i32
      %dma_wait3A_113 = arith.constant 0 : i32
      %dma_wait3A_114 = tpu.memref_slice %arg10[%dma_wait3A_112, %dma_wait3A_113] : memref<128x128xf32, #tpu.memory_space<vmem>> -> memref<128x128xf32, #tpu.memory_space<vmem>>
      %dma_wait3A_115 = arith.constant 0 : i32
      %dma_wait3A_116 = tpu.memref_slice %arg12[%mul3A_91, %dma_wait3A_115] : memref<10112x128xf32, #tpu.memory_space<vmem_shared>> -> memref<128x128xf32, #tpu.memory_space<vmem_shared>>
      %dma_wait3A_117 = arith.constant 0 : i32
      %dma_wait3A_118 = arith.constant 0 : i32
      %dma_wait3A_119 = tpu.memref_slice %arg10[%dma_wait3A_117, %dma_wait3A_118] : memref<128x128xf32, #tpu.memory_space<vmem>> -> memref<128x128xf32, #tpu.memory_space<vmem>>
      %dma_wait3A_120 = arith.constant 0 : i32
      %dma_wait3A_121 = tpu.memref_slice %arg12[%mul3A_91, %dma_wait3A_120] : memref<10112x128xf32, #tpu.memory_space<vmem_shared>> -> memref<128x128xf32, #tpu.memory_space<vmem_shared>>
      tpu.wait_dma2 semaphore(%run_scoped3A : memref<!tpu.dma_semaphore, #tpu.memory_space<semaphore_mem>>) src(%dma_wait3A_121 : memref<128x128xf32, #tpu.memory_space<vmem_shared>>) dst(%dma_wait3A_119 : memref<128x128xf32, #tpu.memory_space<vmem>>)
      tpu.yield
    }) : () -> ()
    "tpu.region"() ({
      %run_scoped3A = tpu.sem_alloc : memref<!tpu.dma_semaphore, #tpu.memory_space<semaphore_mem>>
      %dma_start3A_102 = arith.constant 0 : i32
      %dma_start3A_103 = arith.constant 0 : i32
      %dma_start3A_104 = tpu.memref_slice %arg10[%dma_start3A_102, %dma_start3A_103] : memref<128x128xf32, #tpu.memory_space<vmem>> -> memref<128x128xf32, #tpu.memory_space<vmem>>
      %dma_start3A_105 = arith.constant 0 : i32
      %dma_start3A_106 = tpu.memref_slice %arg7[%arg0, %mul3A_91, %dma_start3A_105] : memref<2x10112x128xf32, #tpu.memory_space<hbm>> -> memref<1x128x128xf32, #tpu.memory_space<hbm>>
      %dma_start3A_107 = tpu.memref_squeeze %dma_start3A_106 : memref<1x128x128xf32, #tpu.memory_space<hbm>> -> memref<128x128xf32, #tpu.memory_space<hbm>>
      %dma_start3A_108 = arith.constant 0 : i32
      %dma_start3A_109 = tpu.memref_slice %arg7[%arg0, %mul3A_91, %dma_start3A_108] : memref<2x10112x128xf32, #tpu.memory_space<hbm>> -> memref<1x128x128xf32, #tpu.memory_space<hbm>>
      %dma_start3A_110 = tpu.memref_squeeze %dma_start3A_109 : memref<1x128x128xf32, #tpu.memory_space<hbm>> -> memref<128x128xf32, #tpu.memory_space<hbm>>
      %dma_start3A_111 = arith.constant 0 : i32
      %dma_start3A_112 = arith.constant 0 : i32
      %dma_start3A_113 = tpu.memref_slice %arg10[%dma_start3A_111, %dma_start3A_112] : memref<128x128xf32, #tpu.memory_space<vmem>> -> memref<128x128xf32, #tpu.memory_space<vmem>>
      tpu.enqueue_dma source(%dma_start3A_113 : memref<128x128xf32, #tpu.memory_space<vmem>>) target(%dma_start3A_110 : memref<128x128xf32, #tpu.memory_space<hbm>>) target_semaphore(%run_scoped3A : memref<!tpu.dma_semaphore, #tpu.memory_space<semaphore_mem>>)
      %dma_wait3A_114 = arith.constant 0 : i32
      %dma_wait3A_115 = arith.constant 0 : i32
      %dma_wait3A_116 = tpu.memref_slice %arg10[%dma_wait3A_114, %dma_wait3A_115] : memref<128x128xf32, #tpu.memory_space<vmem>> -> memref<128x128xf32, #tpu.memory_space<vmem>>
      %dma_wait3A_117 = arith.constant 0 : i32
      %dma_wait3A_118 = tpu.memref_slice %arg7[%arg0, %mul3A_91, %dma_wait3A_117] : memref<2x10112x128xf32, #tpu.memory_space<hbm>> -> memref<1x128x128xf32, #tpu.memory_space<hbm>>
      %dma_wait3A_119 = tpu.memref_squeeze %dma_wait3A_118 : memref<1x128x128xf32, #tpu.memory_space<hbm>> -> memref<128x128xf32, #tpu.memory_space<hbm>>
      %dma_wait3A_120 = arith.constant 0 : i32
      %dma_wait3A_121 = tpu.memref_slice %arg7[%arg0, %mul3A_91, %dma_wait3A_120] : memref<2x10112x128xf32, #tpu.memory_space<hbm>> -> memref<1x128x128xf32, #tpu.memory_space<hbm>>
      %dma_wait3A_122 = tpu.memref_squeeze %dma_wait3A_121 : memref<1x128x128xf32, #tpu.memory_space<hbm>> -> memref<128x128xf32, #tpu.memory_space<hbm>>
      %dma_wait3A_123 = arith.constant 0 : i32
      %dma_wait3A_124 = arith.constant 0 : i32
      %dma_wait3A_125 = tpu.memref_slice %arg10[%dma_wait3A_123, %dma_wait3A_124] : memref<128x128xf32, #tpu.memory_space<vmem>> -> memref<128x128xf32, #tpu.memory_space<vmem>>
      tpu.wait_dma2 semaphore(%run_scoped3A : memref<!tpu.dma_semaphore, #tpu.memory_space<semaphore_mem>>) src(%dma_wait3A_125 : memref<128x128xf32, #tpu.memory_space<vmem>>) dst(%dma_wait3A_122 : memref<128x128xf32, #tpu.memory_space<hbm>>)
      tpu.yield
    }) : () -> ()
    %add3A_92 = arith.constant 128 : i32
    %add3A_93 = arith.addi %mul3A_91, %add3A_92 : i32
    "tpu.region"() ({
      %run_scoped3A = tpu.sem_alloc : memref<!tpu.dma_semaphore, #tpu.memory_space<semaphore_mem>>
      %dma_start3A_102 = arith.constant 0 : i32
      %dma_start3A_103 = arith.constant 0 : i32
      %dma_start3A_104 = tpu.memref_slice %arg10[%dma_start3A_102, %dma_start3A_103] : memref<128x128xf32, #tpu.memory_space<vmem>> -> memref<128x128xf32, #tpu.memory_space<vmem>>
      %dma_start3A_105 = arith.constant 0 : i32
      %dma_start3A_106 = tpu.memref_slice %arg12[%add3A_93, %dma_start3A_105] : memref<10112x128xf32, #tpu.memory_space<vmem_shared>> -> memref<128x128xf32, #tpu.memory_space<vmem_shared>>
      %dma_start3A_107 = arith.constant 0 : i32
      %dma_start3A_108 = arith.constant 0 : i32
      %dma_start3A_109 = tpu.memref_slice %arg10[%dma_start3A_107, %dma_start3A_108] : memref<128x128xf32, #tpu.memory_space<vmem>> -> memref<128x128xf32, #tpu.memory_space<vmem>>
      %dma_start3A_110 = arith.constant 0 : i32
      %dma_start3A_111 = tpu.memref_slice %arg12[%add3A_93, %dma_start3A_110] : memref<10112x128xf32, #tpu.memory_space<vmem_shared>> -> memref<128x128xf32, #tpu.memory_space<vmem_shared>>
      tpu.enqueue_dma source(%dma_start3A_111 : memref<128x128xf32, #tpu.memory_space<vmem_shared>>) target(%dma_start3A_109 : memref<128x128xf32, #tpu.memory_space<vmem>>) target_semaphore(%run_scoped3A : memref<!tpu.dma_semaphore, #tpu.memory_space<semaphore_mem>>)
      %dma_wait3A_112 = arith.constant 0 : i32
      %dma_wait3A_113 = arith.constant 0 : i32
      %dma_wait3A_114 = tpu.memref_slice %arg10[%dma_wait3A_112, %dma_wait3A_113] : memref<128x128xf32, #tpu.memory_space<vmem>> -> memref<128x128xf32, #tpu.memory_space<vmem>>
      %dma_wait3A_115 = arith.constant 0 : i32
      %dma_wait3A_116 = tpu.memref_slice %arg12[%add3A_93, %dma_wait3A_115] : memref<10112x128xf32, #tpu.memory_space<vmem_shared>> -> memref<128x128xf32, #tpu.memory_space<vmem_shared>>
      %dma_wait3A_117 = arith.constant 0 : i32
      %dma_wait3A_118 = arith.constant 0 : i32
      %dma_wait3A_119 = tpu.memref_slice %arg10[%dma_wait3A_117, %dma_wait3A_118] : memref<128x128xf32, #tpu.memory_space<vmem>> -> memref<128x128xf32, #tpu.memory_space<vmem>>
      %dma_wait3A_120 = arith.constant 0 : i32
      %dma_wait3A_121 = tpu.memref_slice %arg12[%add3A_93, %dma_wait3A_120] : memref<10112x128xf32, #tpu.memory_space<vmem_shared>> -> memref<128x128xf32, #tpu.memory_space<vmem_shared>>
      tpu.wait_dma2 semaphore(%run_scoped3A : memref<!tpu.dma_semaphore, #tpu.memory_space<semaphore_mem>>) src(%dma_wait3A_121 : memref<128x128xf32, #tpu.memory_space<vmem_shared>>) dst(%dma_wait3A_119 : memref<128x128xf32, #tpu.memory_space<vmem>>)
      tpu.yield
    }) : () -> ()
    "tpu.region"() ({
      %run_scoped3A = tpu.sem_alloc : memref<!tpu.dma_semaphore, #tpu.memory_space<semaphore_mem>>
      %dma_start3A_102 = arith.constant 0 : i32
      %dma_start3A_103 = arith.constant 0 : i32
      %dma_start3A_104 = tpu.memref_slice %arg10[%dma_start3A_102, %dma_start3A_103] : memref<128x128xf32, #tpu.memory_space<vmem>> -> memref<128x128xf32, #tpu.memory_space<vmem>>
      %dma_start3A_105 = arith.constant 0 : i32
      %dma_start3A_106 = tpu.memref_slice %arg7[%arg0, %add3A_93, %dma_start3A_105] : memref<2x10112x128xf32, #tpu.memory_space<hbm>> -> memref<1x128x128xf32, #tpu.memory_space<hbm>>
      %dma_start3A_107 = tpu.memref_squeeze %dma_start3A_106 : memref<1x128x128xf32, #tpu.memory_space<hbm>> -> memref<128x128xf32, #tpu.memory_space<hbm>>
      %dma_start3A_108 = arith.constant 0 : i32
      %dma_start3A_109 = tpu.memref_slice %arg7[%arg0, %add3A_93, %dma_start3A_108] : memref<2x10112x128xf32, #tpu.memory_space<hbm>> -> memref<1x128x128xf32, #tpu.memory_space<hbm>>
      %dma_start3A_110 = tpu.memref_squeeze %dma_start3A_109 : memref<1x128x128xf32, #tpu.memory_space<hbm>> -> memref<128x128xf32, #tpu.memory_space<hbm>>
      %dma_start3A_111 = arith.constant 0 : i32
      %dma_start3A_112 = arith.constant 0 : i32
      %dma_start3A_113 = tpu.memref_slice %arg10[%dma_start3A_111, %dma_start3A_112] : memref<128x128xf32, #tpu.memory_space<vmem>> -> memref<128x128xf32, #tpu.memory_space<vmem>>
      tpu.enqueue_dma source(%dma_start3A_113 : memref<128x128xf32, #tpu.memory_space<vmem>>) target(%dma_start3A_110 : memref<128x128xf32, #tpu.memory_space<hbm>>) target_semaphore(%run_scoped3A : memref<!tpu.dma_semaphore, #tpu.memory_space<semaphore_mem>>)
      %dma_wait3A_114 = arith.constant 0 : i32
      %dma_wait3A_115 = arith.constant 0 : i32
      %dma_wait3A_116 = tpu.memref_slice %arg10[%dma_wait3A_114, %dma_wait3A_115] : memref<128x128xf32, #tpu.memory_space<vmem>> -> memref<128x128xf32, #tpu.memory_space<vmem>>
      %dma_wait3A_117 = arith.constant 0 : i32
      %dma_wait3A_118 = tpu.memref_slice %arg7[%arg0, %add3A_93, %dma_wait3A_117] : memref<2x10112x128xf32, #tpu.memory_space<hbm>> -> memref<1x128x128xf32, #tpu.memory_space<hbm>>
      %dma_wait3A_119 = tpu.memref_squeeze %dma_wait3A_118 : memref<1x128x128xf32, #tpu.memory_space<hbm>> -> memref<128x128xf32, #tpu.memory_space<hbm>>
      %dma_wait3A_120 = arith.constant 0 : i32
      %dma_wait3A_121 = tpu.memref_slice %arg7[%arg0, %add3A_93, %dma_wait3A_120] : memref<2x10112x128xf32, #tpu.memory_space<hbm>> -> memref<1x128x128xf32, #tpu.memory_space<hbm>>
      %dma_wait3A_122 = tpu.memref_squeeze %dma_wait3A_121 : memref<1x128x128xf32, #tpu.memory_space<hbm>> -> memref<128x128xf32, #tpu.memory_space<hbm>>
      %dma_wait3A_123 = arith.constant 0 : i32
      %dma_wait3A_124 = arith.constant 0 : i32
      %dma_wait3A_125 = tpu.memref_slice %arg10[%dma_wait3A_123, %dma_wait3A_124] : memref<128x128xf32, #tpu.memory_space<vmem>> -> memref<128x128xf32, #tpu.memory_space<vmem>>
      tpu.wait_dma2 semaphore(%run_scoped3A : memref<!tpu.dma_semaphore, #tpu.memory_space<semaphore_mem>>) src(%dma_wait3A_125 : memref<128x128xf32, #tpu.memory_space<vmem>>) dst(%dma_wait3A_122 : memref<128x128xf32, #tpu.memory_space<hbm>>)
      tpu.yield
    }) : () -> ()
    %add3A_94 = arith.constant 128 : i32
    %add3A_95 = arith.addi %add3A_93, %add3A_94 : i32
    "tpu.region"() ({
      %run_scoped3A = tpu.sem_alloc : memref<!tpu.dma_semaphore, #tpu.memory_space<semaphore_mem>>
      %dma_start3A_102 = arith.constant 0 : i32
      %dma_start3A_103 = arith.constant 0 : i32
      %dma_start3A_104 = tpu.memref_slice %arg10[%dma_start3A_102, %dma_start3A_103] : memref<128x128xf32, #tpu.memory_space<vmem>> -> memref<128x128xf32, #tpu.memory_space<vmem>>
      %dma_start3A_105 = arith.constant 0 : i32
      %dma_start3A_106 = tpu.memref_slice %arg12[%add3A_95, %dma_start3A_105] : memref<10112x128xf32, #tpu.memory_space<vmem_shared>> -> memref<128x128xf32, #tpu.memory_space<vmem_shared>>
      %dma_start3A_107 = arith.constant 0 : i32
      %dma_start3A_108 = arith.constant 0 : i32
      %dma_start3A_109 = tpu.memref_slice %arg10[%dma_start3A_107, %dma_start3A_108] : memref<128x128xf32, #tpu.memory_space<vmem>> -> memref<128x128xf32, #tpu.memory_space<vmem>>
      %dma_start3A_110 = arith.constant 0 : i32
      %dma_start3A_111 = tpu.memref_slice %arg12[%add3A_95, %dma_start3A_110] : memref<10112x128xf32, #tpu.memory_space<vmem_shared>> -> memref<128x128xf32, #tpu.memory_space<vmem_shared>>
      tpu.enqueue_dma source(%dma_start3A_111 : memref<128x128xf32, #tpu.memory_space<vmem_shared>>) target(%dma_start3A_109 : memref<128x128xf32, #tpu.memory_space<vmem>>) target_semaphore(%run_scoped3A : memref<!tpu.dma_semaphore, #tpu.memory_space<semaphore_mem>>)
      %dma_wait3A_112 = arith.constant 0 : i32
      %dma_wait3A_113 = arith.constant 0 : i32
      %dma_wait3A_114 = tpu.memref_slice %arg10[%dma_wait3A_112, %dma_wait3A_113] : memref<128x128xf32, #tpu.memory_space<vmem>> -> memref<128x128xf32, #tpu.memory_space<vmem>>
      %dma_wait3A_115 = arith.constant 0 : i32
      %dma_wait3A_116 = tpu.memref_slice %arg12[%add3A_95, %dma_wait3A_115] : memref<10112x128xf32, #tpu.memory_space<vmem_shared>> -> memref<128x128xf32, #tpu.memory_space<vmem_shared>>
      %dma_wait3A_117 = arith.constant 0 : i32
      %dma_wait3A_118 = arith.constant 0 : i32
      %dma_wait3A_119 = tpu.memref_slice %arg10[%dma_wait3A_117, %dma_wait3A_118] : memref<128x128xf32, #tpu.memory_space<vmem>> -> memref<128x128xf32, #tpu.memory_space<vmem>>
      %dma_wait3A_120 = arith.constant 0 : i32
      %dma_wait3A_121 = tpu.memref_slice %arg12[%add3A_95, %dma_wait3A_120] : memref<10112x128xf32, #tpu.memory_space<vmem_shared>> -> memref<128x128xf32, #tpu.memory_space<vmem_shared>>
      tpu.wait_dma2 semaphore(%run_scoped3A : memref<!tpu.dma_semaphore, #tpu.memory_space<semaphore_mem>>) src(%dma_wait3A_121 : memref<128x128xf32, #tpu.memory_space<vmem_shared>>) dst(%dma_wait3A_119 : memref<128x128xf32, #tpu.memory_space<vmem>>)
      tpu.yield
    }) : () -> ()
    "tpu.region"() ({
      %run_scoped3A = tpu.sem_alloc : memref<!tpu.dma_semaphore, #tpu.memory_space<semaphore_mem>>
      %dma_start3A_102 = arith.constant 0 : i32
      %dma_start3A_103 = arith.constant 0 : i32
      %dma_start3A_104 = tpu.memref_slice %arg10[%dma_start3A_102, %dma_start3A_103] : memref<128x128xf32, #tpu.memory_space<vmem>> -> memref<128x128xf32, #tpu.memory_space<vmem>>
      %dma_start3A_105 = arith.constant 0 : i32
      %dma_start3A_106 = tpu.memref_slice %arg7[%arg0, %add3A_95, %dma_start3A_105] : memref<2x10112x128xf32, #tpu.memory_space<hbm>> -> memref<1x128x128xf32, #tpu.memory_space<hbm>>
      %dma_start3A_107 = tpu.memref_squeeze %dma_start3A_106 : memref<1x128x128xf32, #tpu.memory_space<hbm>> -> memref<128x128xf32, #tpu.memory_space<hbm>>
      %dma_start3A_108 = arith.constant 0 : i32
      %dma_start3A_109 = tpu.memref_slice %arg7[%arg0, %add3A_95, %dma_start3A_108] : memref<2x10112x128xf32, #tpu.memory_space<hbm>> -> memref<1x128x128xf32, #tpu.memory_space<hbm>>
      %dma_start3A_110 = tpu.memref_squeeze %dma_start3A_109 : memref<1x128x128xf32, #tpu.memory_space<hbm>> -> memref<128x128xf32, #tpu.memory_space<hbm>>
      %dma_start3A_111 = arith.constant 0 : i32
      %dma_start3A_112 = arith.constant 0 : i32
      %dma_start3A_113 = tpu.memref_slice %arg10[%dma_start3A_111, %dma_start3A_112] : memref<128x128xf32, #tpu.memory_space<vmem>> -> memref<128x128xf32, #tpu.memory_space<vmem>>
      tpu.enqueue_dma source(%dma_start3A_113 : memref<128x128xf32, #tpu.memory_space<vmem>>) target(%dma_start3A_110 : memref<128x128xf32, #tpu.memory_space<hbm>>) target_semaphore(%run_scoped3A : memref<!tpu.dma_semaphore, #tpu.memory_space<semaphore_mem>>)
      %dma_wait3A_114 = arith.constant 0 : i32
      %dma_wait3A_115 = arith.constant 0 : i32
      %dma_wait3A_116 = tpu.memref_slice %arg10[%dma_wait3A_114, %dma_wait3A_115] : memref<128x128xf32, #tpu.memory_space<vmem>> -> memref<128x128xf32, #tpu.memory_space<vmem>>
      %dma_wait3A_117 = arith.constant 0 : i32
      %dma_wait3A_118 = tpu.memref_slice %arg7[%arg0, %add3A_95, %dma_wait3A_117] : memref<2x10112x128xf32, #tpu.memory_space<hbm>> -> memref<1x128x128xf32, #tpu.memory_space<hbm>>
      %dma_wait3A_119 = tpu.memref_squeeze %dma_wait3A_118 : memref<1x128x128xf32, #tpu.memory_space<hbm>> -> memref<128x128xf32, #tpu.memory_space<hbm>>
      %dma_wait3A_120 = arith.constant 0 : i32
      %dma_wait3A_121 = tpu.memref_slice %arg7[%arg0, %add3A_95, %dma_wait3A_120] : memref<2x10112x128xf32, #tpu.memory_space<hbm>> -> memref<1x128x128xf32, #tpu.memory_space<hbm>>
      %dma_wait3A_122 = tpu.memref_squeeze %dma_wait3A_121 : memref<1x128x128xf32, #tpu.memory_space<hbm>> -> memref<128x128xf32, #tpu.memory_space<hbm>>
      %dma_wait3A_123 = arith.constant 0 : i32
      %dma_wait3A_124 = arith.constant 0 : i32
      %dma_wait3A_125 = tpu.memref_slice %arg10[%dma_wait3A_123, %dma_wait3A_124] : memref<128x128xf32, #tpu.memory_space<vmem>> -> memref<128x128xf32, #tpu.memory_space<vmem>>
      tpu.wait_dma2 semaphore(%run_scoped3A : memref<!tpu.dma_semaphore, #tpu.memory_space<semaphore_mem>>) src(%dma_wait3A_125 : memref<128x128xf32, #tpu.memory_space<vmem>>) dst(%dma_wait3A_122 : memref<128x128xf32, #tpu.memory_space<hbm>>)
      tpu.yield
    }) : () -> ()
    %add3A_96 = arith.constant 128 : i32
    %add3A_97 = arith.addi %add3A_95, %add3A_96 : i32
    "tpu.region"() ({
      %run_scoped3A = tpu.sem_alloc : memref<!tpu.dma_semaphore, #tpu.memory_space<semaphore_mem>>
      %dma_start3A_102 = arith.constant 0 : i32
      %dma_start3A_103 = arith.constant 0 : i32
      %dma_start3A_104 = tpu.memref_slice %arg10[%dma_start3A_102, %dma_start3A_103] : memref<128x128xf32, #tpu.memory_space<vmem>> -> memref<128x128xf32, #tpu.memory_space<vmem>>
      %dma_start3A_105 = arith.constant 0 : i32
      %dma_start3A_106 = tpu.memref_slice %arg12[%add3A_97, %dma_start3A_105] : memref<10112x128xf32, #tpu.memory_space<vmem_shared>> -> memref<128x128xf32, #tpu.memory_space<vmem_shared>>
      %dma_start3A_107 = arith.constant 0 : i32
      %dma_start3A_108 = arith.constant 0 : i32
      %dma_start3A_109 = tpu.memref_slice %arg10[%dma_start3A_107, %dma_start3A_108] : memref<128x128xf32, #tpu.memory_space<vmem>> -> memref<128x128xf32, #tpu.memory_space<vmem>>
      %dma_start3A_110 = arith.constant 0 : i32
      %dma_start3A_111 = tpu.memref_slice %arg12[%add3A_97, %dma_start3A_110] : memref<10112x128xf32, #tpu.memory_space<vmem_shared>> -> memref<128x128xf32, #tpu.memory_space<vmem_shared>>
      tpu.enqueue_dma source(%dma_start3A_111 : memref<128x128xf32, #tpu.memory_space<vmem_shared>>) target(%dma_start3A_109 : memref<128x128xf32, #tpu.memory_space<vmem>>) target_semaphore(%run_scoped3A : memref<!tpu.dma_semaphore, #tpu.memory_space<semaphore_mem>>)
      %dma_wait3A_112 = arith.constant 0 : i32
      %dma_wait3A_113 = arith.constant 0 : i32
      %dma_wait3A_114 = tpu.memref_slice %arg10[%dma_wait3A_112, %dma_wait3A_113] : memref<128x128xf32, #tpu.memory_space<vmem>> -> memref<128x128xf32, #tpu.memory_space<vmem>>
      %dma_wait3A_115 = arith.constant 0 : i32
      %dma_wait3A_116 = tpu.memref_slice %arg12[%add3A_97, %dma_wait3A_115] : memref<10112x128xf32, #tpu.memory_space<vmem_shared>> -> memref<128x128xf32, #tpu.memory_space<vmem_shared>>
      %dma_wait3A_117 = arith.constant 0 : i32
      %dma_wait3A_118 = arith.constant 0 : i32
      %dma_wait3A_119 = tpu.memref_slice %arg10[%dma_wait3A_117, %dma_wait3A_118] : memref<128x128xf32, #tpu.memory_space<vmem>> -> memref<128x128xf32, #tpu.memory_space<vmem>>
      %dma_wait3A_120 = arith.constant 0 : i32
      %dma_wait3A_121 = tpu.memref_slice %arg12[%add3A_97, %dma_wait3A_120] : memref<10112x128xf32, #tpu.memory_space<vmem_shared>> -> memref<128x128xf32, #tpu.memory_space<vmem_shared>>
      tpu.wait_dma2 semaphore(%run_scoped3A : memref<!tpu.dma_semaphore, #tpu.memory_space<semaphore_mem>>) src(%dma_wait3A_121 : memref<128x128xf32, #tpu.memory_space<vmem_shared>>) dst(%dma_wait3A_119 : memref<128x128xf32, #tpu.memory_space<vmem>>)
      tpu.yield
    }) : () -> ()
    "tpu.region"() ({
      %run_scoped3A = tpu.sem_alloc : memref<!tpu.dma_semaphore, #tpu.memory_space<semaphore_mem>>
      %dma_start3A_102 = arith.constant 0 : i32
      %dma_start3A_103 = arith.constant 0 : i32
      %dma_start3A_104 = tpu.memref_slice %arg10[%dma_start3A_102, %dma_start3A_103] : memref<128x128xf32, #tpu.memory_space<vmem>> -> memref<128x128xf32, #tpu.memory_space<vmem>>
      %dma_start3A_105 = arith.constant 0 : i32
      %dma_start3A_106 = tpu.memref_slice %arg7[%arg0, %add3A_97, %dma_start3A_105] : memref<2x10112x128xf32, #tpu.memory_space<hbm>> -> memref<1x128x128xf32, #tpu.memory_space<hbm>>
      %dma_start3A_107 = tpu.memref_squeeze %dma_start3A_106 : memref<1x128x128xf32, #tpu.memory_space<hbm>> -> memref<128x128xf32, #tpu.memory_space<hbm>>
      %dma_start3A_108 = arith.constant 0 : i32
      %dma_start3A_109 = tpu.memref_slice %arg7[%arg0, %add3A_97, %dma_start3A_108] : memref<2x10112x128xf32, #tpu.memory_space<hbm>> -> memref<1x128x128xf32, #tpu.memory_space<hbm>>
      %dma_start3A_110 = tpu.memref_squeeze %dma_start3A_109 : memref<1x128x128xf32, #tpu.memory_space<hbm>> -> memref<128x128xf32, #tpu.memory_space<hbm>>
      %dma_start3A_111 = arith.constant 0 : i32
      %dma_start3A_112 = arith.constant 0 : i32
      %dma_start3A_113 = tpu.memref_slice %arg10[%dma_start3A_111, %dma_start3A_112] : memref<128x128xf32, #tpu.memory_space<vmem>> -> memref<128x128xf32, #tpu.memory_space<vmem>>
      tpu.enqueue_dma source(%dma_start3A_113 : memref<128x128xf32, #tpu.memory_space<vmem>>) target(%dma_start3A_110 : memref<128x128xf32, #tpu.memory_space<hbm>>) target_semaphore(%run_scoped3A : memref<!tpu.dma_semaphore, #tpu.memory_space<semaphore_mem>>)
      %dma_wait3A_114 = arith.constant 0 : i32
      %dma_wait3A_115 = arith.constant 0 : i32
      %dma_wait3A_116 = tpu.memref_slice %arg10[%dma_wait3A_114, %dma_wait3A_115] : memref<128x128xf32, #tpu.memory_space<vmem>> -> memref<128x128xf32, #tpu.memory_space<vmem>>
      %dma_wait3A_117 = arith.constant 0 : i32
      %dma_wait3A_118 = tpu.memref_slice %arg7[%arg0, %add3A_97, %dma_wait3A_117] : memref<2x10112x128xf32, #tpu.memory_space<hbm>> -> memref<1x128x128xf32, #tpu.memory_space<hbm>>
      %dma_wait3A_119 = tpu.memref_squeeze %dma_wait3A_118 : memref<1x128x128xf32, #tpu.memory_space<hbm>> -> memref<128x128xf32, #tpu.memory_space<hbm>>
      %dma_wait3A_120 = arith.constant 0 : i32
      %dma_wait3A_121 = tpu.memref_slice %arg7[%arg0, %add3A_97, %dma_wait3A_120] : memref<2x10112x128xf32, #tpu.memory_space<hbm>> -> memref<1x128x128xf32, #tpu.memory_space<hbm>>
      %dma_wait3A_122 = tpu.memref_squeeze %dma_wait3A_121 : memref<1x128x128xf32, #tpu.memory_space<hbm>> -> memref<128x128xf32, #tpu.memory_space<hbm>>
      %dma_wait3A_123 = arith.constant 0 : i32
      %dma_wait3A_124 = arith.constant 0 : i32
      %dma_wait3A_125 = tpu.memref_slice %arg10[%dma_wait3A_123, %dma_wait3A_124] : memref<128x128xf32, #tpu.memory_space<vmem>> -> memref<128x128xf32, #tpu.memory_space<vmem>>
      tpu.wait_dma2 semaphore(%run_scoped3A : memref<!tpu.dma_semaphore, #tpu.memory_space<semaphore_mem>>) src(%dma_wait3A_125 : memref<128x128xf32, #tpu.memory_space<vmem>>) dst(%dma_wait3A_122 : memref<128x128xf32, #tpu.memory_space<hbm>>)
      tpu.yield
    }) : () -> ()
    %add3A_98 = arith.constant 128 : i32
    %add3A_99 = arith.addi %add3A_97, %add3A_98 : i32
    "tpu.region"() ({
      %run_scoped3A = tpu.sem_alloc : memref<!tpu.dma_semaphore, #tpu.memory_space<semaphore_mem>>
      %dma_start3A_102 = arith.constant 0 : i32
      %dma_start3A_103 = arith.constant 0 : i32
      %dma_start3A_104 = tpu.memref_slice %arg10[%dma_start3A_102, %dma_start3A_103] : memref<128x128xf32, #tpu.memory_space<vmem>> -> memref<120x128xf32, #tpu.memory_space<vmem>>
      %dma_start3A_105 = arith.constant 0 : i32
      %dma_start3A_106 = tpu.memref_slice %arg12[%add3A_99, %dma_start3A_105] : memref<10112x128xf32, #tpu.memory_space<vmem_shared>> -> memref<120x128xf32, #tpu.memory_space<vmem_shared>>
      %dma_start3A_107 = arith.constant 0 : i32
      %dma_start3A_108 = arith.constant 0 : i32
      %dma_start3A_109 = tpu.memref_slice %arg10[%dma_start3A_107, %dma_start3A_108] : memref<128x128xf32, #tpu.memory_space<vmem>> -> memref<120x128xf32, #tpu.memory_space<vmem>>
      %dma_start3A_110 = arith.constant 0 : i32
      %dma_start3A_111 = tpu.memref_slice %arg12[%add3A_99, %dma_start3A_110] : memref<10112x128xf32, #tpu.memory_space<vmem_shared>> -> memref<120x128xf32, #tpu.memory_space<vmem_shared>>
      tpu.enqueue_dma source(%dma_start3A_111 : memref<120x128xf32, #tpu.memory_space<vmem_shared>>) target(%dma_start3A_109 : memref<120x128xf32, #tpu.memory_space<vmem>>) target_semaphore(%run_scoped3A : memref<!tpu.dma_semaphore, #tpu.memory_space<semaphore_mem>>)
      %dma_wait3A_112 = arith.constant 0 : i32
      %dma_wait3A_113 = arith.constant 0 : i32
      %dma_wait3A_114 = tpu.memref_slice %arg10[%dma_wait3A_112, %dma_wait3A_113] : memref<128x128xf32, #tpu.memory_space<vmem>> -> memref<120x128xf32, #tpu.memory_space<vmem>>
      %dma_wait3A_115 = arith.constant 0 : i32
      %dma_wait3A_116 = tpu.memref_slice %arg12[%add3A_99, %dma_wait3A_115] : memref<10112x128xf32, #tpu.memory_space<vmem_shared>> -> memref<120x128xf32, #tpu.memory_space<vmem_shared>>
      %dma_wait3A_117 = arith.constant 0 : i32
      %dma_wait3A_118 = arith.constant 0 : i32
      %dma_wait3A_119 = tpu.memref_slice %arg10[%dma_wait3A_117, %dma_wait3A_118] : memref<128x128xf32, #tpu.memory_space<vmem>> -> memref<120x128xf32, #tpu.memory_space<vmem>>
      %dma_wait3A_120 = arith.constant 0 : i32
      %dma_wait3A_121 = tpu.memref_slice %arg12[%add3A_99, %dma_wait3A_120] : memref<10112x128xf32, #tpu.memory_space<vmem_shared>> -> memref<120x128xf32, #tpu.memory_space<vmem_shared>>
      tpu.wait_dma2 semaphore(%run_scoped3A : memref<!tpu.dma_semaphore, #tpu.memory_space<semaphore_mem>>) src(%dma_wait3A_121 : memref<120x128xf32, #tpu.memory_space<vmem_shared>>) dst(%dma_wait3A_119 : memref<120x128xf32, #tpu.memory_space<vmem>>)
      tpu.yield
    }) : () -> ()
    "tpu.region"() ({
      %run_scoped3A = tpu.sem_alloc : memref<!tpu.dma_semaphore, #tpu.memory_space<semaphore_mem>>
      %dma_start3A_102 = arith.constant 0 : i32
      %dma_start3A_103 = arith.constant 0 : i32
      %dma_start3A_104 = tpu.memref_slice %arg10[%dma_start3A_102, %dma_start3A_103] : memref<128x128xf32, #tpu.memory_space<vmem>> -> memref<120x128xf32, #tpu.memory_space<vmem>>
      %dma_start3A_105 = arith.constant 0 : i32
      %dma_start3A_106 = tpu.memref_slice %arg7[%arg0, %add3A_99, %dma_start3A_105] : memref<2x10112x128xf32, #tpu.memory_space<hbm>> -> memref<1x120x128xf32, #tpu.memory_space<hbm>>
      %dma_start3A_107 = tpu.memref_squeeze %dma_start3A_106 : memref<1x120x128xf32, #tpu.memory_space<hbm>> -> memref<120x128xf32, #tpu.memory_space<hbm>>
      %dma_start3A_108 = arith.constant 0 : i32
      %dma_start3A_109 = tpu.memref_slice %arg7[%arg0, %add3A_99, %dma_start3A_108] : memref<2x10112x128xf32, #tpu.memory_space<hbm>> -> memref<1x120x128xf32, #tpu.memory_space<hbm>>
      %dma_start3A_110 = tpu.memref_squeeze %dma_start3A_109 : memref<1x120x128xf32, #tpu.memory_space<hbm>> -> memref<120x128xf32, #tpu.memory_space<hbm>>
      %dma_start3A_111 = arith.constant 0 : i32
      %dma_start3A_112 = arith.constant 0 : i32
      %dma_start3A_113 = tpu.memref_slice %arg10[%dma_start3A_111, %dma_start3A_112] : memref<128x128xf32, #tpu.memory_space<vmem>> -> memref<120x128xf32, #tpu.memory_space<vmem>>
      tpu.enqueue_dma source(%dma_start3A_113 : memref<120x128xf32, #tpu.memory_space<vmem>>) target(%dma_start3A_110 : memref<120x128xf32, #tpu.memory_space<hbm>>) target_semaphore(%run_scoped3A : memref<!tpu.dma_semaphore, #tpu.memory_space<semaphore_mem>>)
      %dma_wait3A_114 = arith.constant 0 : i32
      %dma_wait3A_115 = arith.constant 0 : i32
      %dma_wait3A_116 = tpu.memref_slice %arg10[%dma_wait3A_114, %dma_wait3A_115] : memref<128x128xf32, #tpu.memory_space<vmem>> -> memref<120x128xf32, #tpu.memory_space<vmem>>
      %dma_wait3A_117 = arith.constant 0 : i32
      %dma_wait3A_118 = tpu.memref_slice %arg7[%arg0, %add3A_99, %dma_wait3A_117] : memref<2x10112x128xf32, #tpu.memory_space<hbm>> -> memref<1x120x128xf32, #tpu.memory_space<hbm>>
      %dma_wait3A_119 = tpu.memref_squeeze %dma_wait3A_118 : memref<1x120x128xf32, #tpu.memory_space<hbm>> -> memref<120x128xf32, #tpu.memory_space<hbm>>
      %dma_wait3A_120 = arith.constant 0 : i32
      %dma_wait3A_121 = tpu.memref_slice %arg7[%arg0, %add3A_99, %dma_wait3A_120] : memref<2x10112x128xf32, #tpu.memory_space<hbm>> -> memref<1x120x128xf32, #tpu.memory_space<hbm>>
      %dma_wait3A_122 = tpu.memref_squeeze %dma_wait3A_121 : memref<1x120x128xf32, #tpu.memory_space<hbm>> -> memref<120x128xf32, #tpu.memory_space<hbm>>
      %dma_wait3A_123 = arith.constant 0 : i32
      %dma_wait3A_124 = arith.constant 0 : i32
      %dma_wait3A_125 = tpu.memref_slice %arg10[%dma_wait3A_123, %dma_wait3A_124] : memref<128x128xf32, #tpu.memory_space<vmem>> -> memref<120x128xf32, #tpu.memory_space<vmem>>
      tpu.wait_dma2 semaphore(%run_scoped3A : memref<!tpu.dma_semaphore, #tpu.memory_space<semaphore_mem>>) src(%dma_wait3A_125 : memref<120x128xf32, #tpu.memory_space<vmem>>) dst(%dma_wait3A_122 : memref<120x128xf32, #tpu.memory_space<hbm>>)
      tpu.yield
    }) : () -> ()
    %add3A_100 = arith.constant 120 : i32
    %add3A_101 = arith.addi %add3A_99, %add3A_100 : i32
    return
  }
}

module attributes {stable_mosaic.version = 14 : i64} {
  func.func @_node_pre_body(%arg0: i32, %arg1: memref<2000x128xf32, #tpu.memory_space<vmem>>, %arg2: memref<128x128xf32, #tpu.memory_space<vmem>>, %arg3: memref<128x128xf32, #tpu.memory_space<vmem>>, %arg4: memref<2000x128xf32, #tpu.memory_space<vmem>>, %arg5: memref<2000x128xf32, #tpu.memory_space<vmem>>) attributes {dimension_semantics = [#tpu.dimension_semantics<arbitrary>], iteration_bounds = array<i64: 5>, scalar_prefetch = 0 : i64, scratch_operands = 0 : i64, tpu.core_type = #tpu.core_type<tc>, window_params = [{transform_indices = @transform_0, window_bounds = array<i64: 2000, 128>}, {pipeline_mode = #tpu.pipeline_mode<synchronous>, transform_indices = @transform_1, window_bounds = array<i64: 128, 128>}, {pipeline_mode = #tpu.pipeline_mode<synchronous>, transform_indices = @transform_2, window_bounds = array<i64: 128, 128>}, {transform_indices = @transform_3, window_bounds = array<i64: 2000, 128>}, {transform_indices = @transform_4, window_bounds = array<i64: 2000, 128>}]} {
    %get3A = arith.constant 0 : index
    %get3A_0 = arith.constant 0 : index
    %get3A_1 = vector.load %arg1[%get3A, %get3A_0] : memref<2000x128xf32, #tpu.memory_space<vmem>>, vector<2000x128xf32>
    %get3A_2 = arith.constant 0 : index
    %get3A_3 = arith.constant 0 : index
    %get3A_4 = vector.load %arg2[%get3A_2, %get3A_3] : memref<128x128xf32, #tpu.memory_space<vmem>>, vector<128x128xf32>
    %dot_general3A = arith.constant dense<0.000000e+00> : vector<2000x128xf32>
    %dot_general3A_5 = tpu.matmul %get3A_1, %get3A_4, %dot_general3A {dimension_numbers = #tpu.dot_dimension_numbers<[1], [0], [0], [1], [0, 0, 1, 1], [], []>, transpose_lhs_hint = false} : vector<2000x128xf32>, vector<128x128xf32>, vector<2000x128xf32> -> vector<2000x128xf32>
    %swap3A = arith.constant 0 : index
    %swap3A_6 = arith.constant 0 : index
    %swap3A_7 = vector.load %arg4[%swap3A, %swap3A_6] : memref<2000x128xf32, #tpu.memory_space<vmem>>, vector<2000x128xf32>
    tpu.vector_store %arg4[%swap3A, %swap3A_6], %dot_general3A_5 {strides = array<i32>} : memref<2000x128xf32, #tpu.memory_space<vmem>>, vector<2000x128xf32>,
    %get3A_8 = arith.constant 0 : index
    %get3A_9 = arith.constant 0 : index
    %get3A_10 = vector.load %arg3[%get3A_8, %get3A_9] : memref<128x128xf32, #tpu.memory_space<vmem>>, vector<128x128xf32>
    %dot_general3A_11 = arith.constant dense<0.000000e+00> : vector<2000x128xf32>
    %dot_general3A_12 = tpu.matmul %get3A_1, %get3A_10, %dot_general3A_11 {dimension_numbers = #tpu.dot_dimension_numbers<[1], [0], [0], [1], [0, 0, 1, 1], [], []>, transpose_lhs_hint = false} : vector<2000x128xf32>, vector<128x128xf32>, vector<2000x128xf32> -> vector<2000x128xf32>
    %swap3A_13 = arith.constant 0 : index
    %swap3A_14 = arith.constant 0 : index
    %swap3A_15 = vector.load %arg5[%swap3A_13, %swap3A_14] : memref<2000x128xf32, #tpu.memory_space<vmem>>, vector<2000x128xf32>
    tpu.vector_store %arg5[%swap3A_13, %swap3A_14], %dot_general3A_12 {strides = array<i32>} : memref<2000x128xf32, #tpu.memory_space<vmem>>, vector<2000x128xf32>,
    return
  }
  func.func @transform_0(%arg0: i32) -> (i32, i32) {
    %c0_i32 = arith.constant 0 : i32
    %c0_i32_0 = arith.constant 0 : i32
    return %arg0, %c0_i32 : i32, i32
  }
  func.func @transform_1(%arg0: i32) -> (i32, i32) {
    %c0_i32 = arith.constant 0 : i32
    %c0_i32_0 = arith.constant 0 : i32
    %c0_i32_1 = arith.constant 0 : i32
    return %c0_i32, %c0_i32_0 : i32, i32
  }
  func.func @transform_2(%arg0: i32) -> (i32, i32) {
    %c0_i32 = arith.constant 0 : i32
    %c0_i32_0 = arith.constant 0 : i32
    %c0_i32_1 = arith.constant 0 : i32
    return %c0_i32, %c0_i32_0 : i32, i32
  }
  func.func @transform_3(%arg0: i32) -> (i32, i32) {
    %c0_i32 = arith.constant 0 : i32
    %c0_i32_0 = arith.constant 0 : i32
    return %arg0, %c0_i32 : i32, i32
  }
  func.func @transform_4(%arg0: i32) -> (i32, i32) {
    %c0_i32 = arith.constant 0 : i32
    %c0_i32_0 = arith.constant 0 : i32
    return %arg0, %c0_i32 : i32, i32
  }
}

module attributes {stable_mosaic.version = 14 : i64} {
  func.func @_ea_body(%arg0: i32, %arg1: memref<4000x16xf32, #tpu.memory_space<vmem>>, %arg2: memref<16x128xf32, #tpu.memory_space<vmem>>, %arg3: memref<1x128xf32, #tpu.memory_space<vmem>>, %arg4: memref<4000x128xf32, #tpu.memory_space<vmem>>) attributes {dimension_semantics = [#tpu.dimension_semantics<arbitrary>], iteration_bounds = array<i64: 80>, scalar_prefetch = 0 : i64, scratch_operands = 0 : i64, tpu.core_type = #tpu.core_type<tc>, window_params = [{transform_indices = @transform_0, window_bounds = array<i64: 4000, 16>}, {pipeline_mode = #tpu.pipeline_mode<synchronous>, transform_indices = @transform_1, window_bounds = array<i64: 16, 128>}, {pipeline_mode = #tpu.pipeline_mode<synchronous>, transform_indices = @transform_2, window_bounds = array<i64: 1, 128>}, {transform_indices = @transform_3, window_bounds = array<i64: 4000, 128>}]} {
    %get3A = arith.constant 0 : index
    %get3A_0 = arith.constant 0 : index
    %get3A_1 = vector.load %arg1[%get3A, %get3A_0] : memref<4000x16xf32, #tpu.memory_space<vmem>>, vector<4000x16xf32>
    %get3A_2 = arith.constant 0 : index
    %get3A_3 = arith.constant 0 : index
    %get3A_4 = vector.load %arg2[%get3A_2, %get3A_3] : memref<16x128xf32, #tpu.memory_space<vmem>>, vector<16x128xf32>
    %dot_general3A = arith.constant dense<0.000000e+00> : vector<4000x128xf32>
    %dot_general3A_5 = tpu.matmul %get3A_1, %get3A_4, %dot_general3A {dimension_numbers = #tpu.dot_dimension_numbers<[1], [0], [0], [1], [0, 0, 1, 1], [], []>, transpose_lhs_hint = false} : vector<4000x16xf32>, vector<16x128xf32>, vector<4000x128xf32> -> vector<4000x128xf32>
    %get3A_6 = arith.constant 0 : index
    %get3A_7 = arith.constant 0 : index
    %get3A_8 = vector.load %arg3[%get3A_6, %get3A_7] : memref<1x128xf32, #tpu.memory_space<vmem>>, vector<1x128xf32>
    %add3A = vector.broadcast %get3A_8 : vector<1x128xf32> to vector<4000x128xf32>
    %add3A_9 = arith.addf %dot_general3A_5, %add3A : vector<4000x128xf32>
    %swap3A = arith.constant 0 : index
    %swap3A_10 = arith.constant 0 : index
    %swap3A_11 = vector.load %arg4[%swap3A, %swap3A_10] : memref<4000x128xf32, #tpu.memory_space<vmem>>, vector<4000x128xf32>
    tpu.vector_store %arg4[%swap3A, %swap3A_10], %add3A_9 {strides = array<i32>} : memref<4000x128xf32, #tpu.memory_space<vmem>>, vector<4000x128xf32>,
    return
  }
  func.func @transform_0(%arg0: i32) -> (i32, i32) {
    %c0_i32 = arith.constant 0 : i32
    %c0_i32_0 = arith.constant 0 : i32
    return %arg0, %c0_i32 : i32, i32
  }
  func.func @transform_1(%arg0: i32) -> (i32, i32) {
    %c0_i32 = arith.constant 0 : i32
    %c0_i32_0 = arith.constant 0 : i32
    %c0_i32_1 = arith.constant 0 : i32
    return %c0_i32, %c0_i32_0 : i32, i32
  }
  func.func @transform_2(%arg0: i32) -> (i32, i32) {
    %c0_i32 = arith.constant 0 : i32
    %c0_i32_0 = arith.constant 0 : i32
    %c0_i32_1 = arith.constant 0 : i32
    return %c0_i32, %c0_i32_0 : i32, i32
  }
  func.func @transform_3(%arg0: i32) -> (i32, i32) {
    %c0_i32 = arith.constant 0 : i32
    %c0_i32_0 = arith.constant 0 : i32
    return %arg0, %c0_i32 : i32, i32
  }
}

module attributes {stable_mosaic.version = 14 : i64} {
  func.func @_node_mlp_body(%arg0: i32, %arg1: memref<2000x128xf32, #tpu.memory_space<vmem>>, %arg2: memref<1x2000x128xf32, #tpu.memory_space<vmem>>, %arg3: memref<1x2000x128xf32, #tpu.memory_space<vmem>>, %arg4: memref<128x128xf32, #tpu.memory_space<vmem>>, %arg5: memref<128x128xf32, #tpu.memory_space<vmem>>, %arg6: memref<1x128xf32, #tpu.memory_space<vmem>>, %arg7: memref<2000x128xf32, #tpu.memory_space<vmem>>) attributes {dimension_semantics = [#tpu.dimension_semantics<arbitrary>], iteration_bounds = array<i64: 5>, scalar_prefetch = 0 : i64, scratch_operands = 0 : i64, tpu.core_type = #tpu.core_type<tc>, window_params = [{transform_indices = @transform_0, window_bounds = array<i64: 2000, 128>}, {transform_indices = @transform_1, window_bounds = array<i64: 1, 2000, 128>}, {transform_indices = @transform_2, window_bounds = array<i64: 1, 2000, 128>}, {pipeline_mode = #tpu.pipeline_mode<synchronous>, transform_indices = @transform_3, window_bounds = array<i64: 128, 128>}, {pipeline_mode = #tpu.pipeline_mode<synchronous>, transform_indices = @transform_4, window_bounds = array<i64: 128, 128>}, {pipeline_mode = #tpu.pipeline_mode<synchronous>, transform_indices = @transform_5, window_bounds = array<i64: 1, 128>}, {transform_indices = @transform_6, window_bounds = array<i64: 2000, 128>}]} {
    %get3A = arith.constant 0 : index
    %get3A_0 = arith.constant 0 : index
    %get3A_1 = vector.load %arg1[%get3A, %get3A_0] : memref<2000x128xf32, #tpu.memory_space<vmem>>, vector<2000x128xf32>
    %get3A_2 = arith.constant 0 : index
    %get3A_3 = arith.constant 0 : index
    %get3A_4 = vector.load %arg4[%get3A_2, %get3A_3] : memref<128x128xf32, #tpu.memory_space<vmem>>, vector<128x128xf32>
    %dot_general3A = arith.constant dense<0.000000e+00> : vector<2000x128xf32>
    %dot_general3A_5 = tpu.matmul %get3A_1, %get3A_4, %dot_general3A {dimension_numbers = #tpu.dot_dimension_numbers<[1], [0], [0], [1], [0, 0, 1, 1], [], []>, transpose_lhs_hint = false} : vector<2000x128xf32>, vector<128x128xf32>, vector<2000x128xf32> -> vector<2000x128xf32>
    %get3A_6 = arith.constant 0 : index
    %get3A_7 = arith.constant 0 : index
    %get3A_8 = arith.constant 0 : index
    %get3A_9 = vector.load %arg2[%get3A_6, %get3A_7, %get3A_8] : memref<1x2000x128xf32, #tpu.memory_space<vmem>>, vector<1x2000x128xf32>
    %get3A_10 = vector.shape_cast %get3A_9 : vector<1x2000x128xf32> to vector<2000x128xf32>
    %get3A_11 = arith.constant 0 : index
    %get3A_12 = arith.constant 0 : index
    %get3A_13 = arith.constant 0 : index
    %get3A_14 = vector.load %arg3[%get3A_11, %get3A_12, %get3A_13] : memref<1x2000x128xf32, #tpu.memory_space<vmem>>, vector<1x2000x128xf32>
    %get3A_15 = vector.shape_cast %get3A_14 : vector<1x2000x128xf32> to vector<2000x128xf32>
    %add3A = arith.addf %get3A_10, %get3A_15 : vector<2000x128xf32>
    %get3A_16 = arith.constant 0 : index
    %get3A_17 = arith.constant 0 : index
    %get3A_18 = vector.load %arg5[%get3A_16, %get3A_17] : memref<128x128xf32, #tpu.memory_space<vmem>>, vector<128x128xf32>
    %dot_general3A_19 = arith.constant dense<0.000000e+00> : vector<2000x128xf32>
    %dot_general3A_20 = tpu.matmul %add3A, %get3A_18, %dot_general3A_19 {dimension_numbers = #tpu.dot_dimension_numbers<[1], [0], [0], [1], [0, 0, 1, 1], [], []>, transpose_lhs_hint = false} : vector<2000x128xf32>, vector<128x128xf32>, vector<2000x128xf32> -> vector<2000x128xf32>
    %add3A_21 = arith.addf %dot_general3A_5, %dot_general3A_20 : vector<2000x128xf32>
    %get3A_22 = arith.constant 0 : index
    %get3A_23 = arith.constant 0 : index
    %get3A_24 = vector.load %arg6[%get3A_22, %get3A_23] : memref<1x128xf32, #tpu.memory_space<vmem>>, vector<1x128xf32>
    %add3A_25 = vector.broadcast %get3A_24 : vector<1x128xf32> to vector<2000x128xf32>
    %add3A_26 = arith.addf %add3A_21, %add3A_25 : vector<2000x128xf32>
    %max3A = arith.constant 0.000000e+00 : f32
    %max3A_27 = vector.broadcast %max3A : f32 to vector<2000x128xf32>
    %max3A_28 = arith.maximumf %add3A_26, %max3A_27 : vector<2000x128xf32>
    %swap3A = arith.constant 0 : index
    %swap3A_29 = arith.constant 0 : index
    %swap3A_30 = vector.load %arg7[%swap3A, %swap3A_29] : memref<2000x128xf32, #tpu.memory_space<vmem>>, vector<2000x128xf32>
    tpu.vector_store %arg7[%swap3A, %swap3A_29], %max3A_28 {strides = array<i32>} : memref<2000x128xf32, #tpu.memory_space<vmem>>, vector<2000x128xf32>,
    return
  }
  func.func @transform_0(%arg0: i32) -> (i32, i32) {
    %c0_i32 = arith.constant 0 : i32
    %c0_i32_0 = arith.constant 0 : i32
    return %arg0, %c0_i32 : i32, i32
  }
  func.func @transform_1(%arg0: i32) -> (i32, i32, i32) {
    %c0_i32 = arith.constant 0 : i32
    %c0_i32_0 = arith.constant 0 : i32
    %c0_i32_1 = arith.constant 0 : i32
    return %c0_i32, %arg0, %c0_i32_0 : i32, i32, i32
  }
  func.func @transform_2(%arg0: i32) -> (i32, i32, i32) {
    %c1_i32 = arith.constant 1 : i32
    %c0_i32 = arith.constant 0 : i32
    %c0_i32_0 = arith.constant 0 : i32
    return %c1_i32, %arg0, %c0_i32 : i32, i32, i32
  }
  func.func @transform_3(%arg0: i32) -> (i32, i32) {
    %c0_i32 = arith.constant 0 : i32
    %c0_i32_0 = arith.constant 0 : i32
    %c0_i32_1 = arith.constant 0 : i32
    return %c0_i32, %c0_i32_0 : i32, i32
  }
  func.func @transform_4(%arg0: i32) -> (i32, i32) {
    %c0_i32 = arith.constant 0 : i32
    %c0_i32_0 = arith.constant 0 : i32
    %c0_i32_1 = arith.constant 0 : i32
    return %c0_i32, %c0_i32_0 : i32, i32
  }
  func.func @transform_5(%arg0: i32) -> (i32, i32) {
    %c0_i32 = arith.constant 0 : i32
    %c0_i32_0 = arith.constant 0 : i32
    %c0_i32_1 = arith.constant 0 : i32
    return %c0_i32, %c0_i32_0 : i32, i32
  }
  func.func @transform_6(%arg0: i32) -> (i32, i32) {
    %c0_i32 = arith.constant 0 : i32
    %c0_i32_0 = arith.constant 0 : i32
    return %arg0, %c0_i32 : i32, i32
  }
}

</mosaic_0001>

<sc_bundles>
// kernel: kernel.6.cloned.1.call-start
scs
__scs_entry_jumppad:
0x0: {  	(pc) =	sbr.rel $0x88, $3  }
0x1: {  	(tag) =	ssettag $0x0;
	lr =	simm.s32 $0x1  }
0x2: {  	[smem:$0x3F9A] =	sst lr;
	_ =	strace $0xD0000000  }
0x3: {  	_ = 	snop  }
0x4: {  	_ = 	snop  }
0x5: {  	_ = 	snop  }
0x6: {  	_ = 	snop  }
0x7: {  	_ = 	snop  }
__scs_overlays_trampoline_lowered:
0x8: {  	[smem:$0x3FA9] =	sst s0  }
0x9: {  	[smem:$0x3FAA] =	sst s1  }
0xa: {  	[smem:$0x3FAB] =	sst s2  }
0xb: {  	[smem:$0x3FAC] =	sst s3  }
0xc: {  	[smem:$0x3FAD] =	sst s4  }
0xd: {  	[smem:$0x3FAE] =	sst s5  }
0xe: {  	[smem:$0x3FAF] =	sst s6  }
0xf: {  	[smem:$0x3FB0] =	sst s7  }
0x10: {  	[smem:$0x3FB1] =	sst s8  }
0x11: {  	[smem:$0x3FB2] =	sst s9;
	s0 =	simm.s32 @!p0 $0x0  }
0x12: {  	s1 =	sld [smem:$0x3F98];
	s0 =	simm.s32 @p0 $0x1  }
0x13: {  	[smem:$0x3FB3] =	sst s0;
	s0 =	simm.s32 @!p1 $0x0  }
0x14: {  	s2 =	sld [smem:$0x3F97];
	s0 =	simm.s32 @p1 $0x1  }
0x15: {  	[smem:$0x3FB4] =	sst s0;
	s0 =	simm.s32 @!p2 $0x0  }
0x16: {  	s3 =	sld [smem:$0x3FDB];
	s0 =	simm.s32 @p2 $0x1  }
0x17: {  	s4 =	simm.s32 $0x1BF5;
	[smem:$0x3FB6] =	sst s0  }
0x18: {  	s0 =	sld [smem:$0x3F99];
	_ =	swait.ge [sflag:s4], $0x0  }
0x19: {  	s7 =	sld [smem:$0x3F9A]  }
0x1a: {  	s8 =	sadd.s32 $0xFFFFE003, lr  }
0x1b: {  	s9 =	sadd.s32 $0xFFFFFEF7, lr;
	s5 =	simm.s32 $0xFFFFFFFF;
	p2 =	slt.u32 s8, $0xFFFFF086  }
0x1c: {  	p1 =	slt.u32 s9, $0xF7A;
	s5 =	simm.s32 @!p2 $0x0  }
0x1d: {  	s5 =	simm.s32 @p1 $0x1;
	p0 =	seq.s32 s7, s2  }
0x1e: {  	s7 =	smul.u32 @!p0 $0xF7A, s2;
	p2 =	seq.s32 @!p0 s5, $0x0  }
0x1f: {  	s9 =	smul.u32 $0xF7A, s1;
	s8 =	simm.s32 @!p0 $0x1BF5;
	p2 =	por !p2, p0  }
0x20: {  	[sflag:s8] =	ssyncset.s32 @!p0 $0xFFFFF086;
	s6 =	sadd.s32 @!p0 s3, s7;
	s7 =	simm.s32 @!p0 $0x108  }
0x21: {  	s3 =	sadd.s32 s3, s9;
	s6 =	sadd.s32 @!p0 $0x88, s6;
	s7 =	simm.s32 @p2 $0x1082  }
0x22: {  	[simem:s7], [sflag:s8] =	dma.local @!p0 [hbm:s6], $0xF7A  }
0x23: {  	s9 =	sor.u32 $0xD0000000, s2;
	s6 =	simm.s32 $0x108;
	_ =	swait.ge @!p0 [sflag:s8], $0x0  }
0x24: {  	s3 =	sadd.s32 $0x88, s3;
	s6 =	simm.s32 @!p1 $0x1082;
	[sflag:s4] =	ssyncset.s32 $0xFFFFF086  }
0x25: {  	[simem:s6], [sflag:s4] =	dma.local [hbm:s3], $0xF7A  }
0x26: {  	[smem:$0x3F9A] =	sst s1;
	(tag) =	ssettag s2;
	_ =	strace s9  }
0x27: {  	s1 =	sld [smem:$0x3FAA]  }
0x28: {  	s2 =	sld [smem:$0x3FAB]  }
0x29: {  	s4 =	sld [smem:$0x3FAD]  }
0x2a: {  	p0 =	seq.s32 s5, $0x0;
	s5 =	sld [smem:$0x3FAE]  }
0x2b: {  	s6 =	sld [smem:$0x3FAF]  }
0x2c: {  	s7 =	sld [smem:$0x3FB0]  }
0x2d: {  	s3 =	simm.s32 $0x108;
	s8 =	sld [smem:$0x3FB1]  }
0x2e: {  	s3 =	simm.s32 @!p0 $0x1082;
	s9 =	sld [smem:$0x3FB2]  }
0x2f: {  	lr =	sadd.s32 s0, s3;
	s0 =	sld [smem:$0x3FA9]  }
0x30: {  	s3 =	sld [smem:$0x3FAC]  }
0x31: {  	[smem:$0x3FB5] =	sst s10  }
0x32: {  	s10 =	sld [smem:$0x3FB3];
	_ =	sdelay $0x3  }
0x33: {  	p0 =	seq.s32 s10, $0x1;
	s10 =	sld [smem:$0x3FB5];
	_ =	sdelay $0x3  }
0x34: {  	[smem:$0x3FB5] =	sst s10  }
0x35: {  	s10 =	sld [smem:$0x3FB4];
	_ =	sdelay $0x3  }
0x36: {  	p1 =	seq.s32 s10, $0x1;
	s10 =	sld [smem:$0x3FB5];
	_ =	sdelay $0x3  }
0x37: {  	[smem:$0x3FB5] =	sst s10  }
0x38: {  	s10 =	sld [smem:$0x3FB6]  }
0x39: {  	_ = 	snop;
	(pc) =	sbr.ind lr, $3  }
0x3a: {  	_ = 	snop  }
0x3b: {  	_ = 	snop  }
0x3c: {  	p2 =	seq.s32 s10, $0x1;
	s10 =	sld [smem:$0x3FB5]  }
0x3d: {  	_ =	shalt  }
0x3e: {  	_ =	shalt  }
0x3f: {  	_ =	shalt  }
0x40: {  	_ =	shalt  }
0x41: {  	_ =	shalt  }
0x42: {  	_ =	shalt  }
0x43: {  	_ =	shalt  }
0x44: {  	_ =	shalt  }
0x45: {  	_ =	shalt  }
0x46: {  	_ =	shalt  }
0x47: {  	_ =	shalt  }
0x48: {  	_ =	shalt  }
0x49: {  	_ =	shalt  }
0x4a: {  	_ =	shalt  }
0x4b: {  	_ =	shalt  }
0x4c: {  	_ =	shalt  }
0x4d: {  	_ =	shalt  }
0x4e: {  	_ =	shalt  }
0x4f: {  	_ =	shalt  }
0x50: {  	_ =	shalt  }
0x51: {  	_ =	shalt  }
0x52: {  	_ =	shalt  }
0x53: {  	_ =	shalt  }
0x54: {  	_ =	shalt  }
0x55: {  	_ =	shalt  }
0x56: {  	_ =	shalt  }
0x57: {  	_ =	shalt  }
0x58: {  	_ =	shalt  }
0x59: {  	_ =	shalt  }
0x5a: {  	_ =	shalt  }
0x5b: {  	_ =	shalt  }
0x5c: {  	_ =	shalt  }
0x5d: {  	_ =	shalt  }
0x5e: {  	_ =	shalt  }
0x5f: {  	_ =	shalt  }
0x60: {  	_ =	shalt  }
0x61: {  	_ =	shalt  }
0x62: {  	_ =	shalt  }
0x63: {  	_ =	shalt  }
0x64: {  	_ =	shalt  }
0x65: {  	_ =	shalt  }
0x66: {  	_ =	shalt  }
0x67: {  	_ =	shalt  }
0x68: {  	_ =	shalt  }
0x69: {  	_ =	shalt  }
0x6a: {  	_ =	shalt  }
0x6b: {  	_ =	shalt  }
0x6c: {  	_ =	shalt  }
0x6d: {  	_ =	shalt  }
0x6e: {  	_ =	shalt  }
0x6f: {  	_ =	shalt  }
0x70: {  	_ =	shalt  }
0x71: {  	_ =	shalt  }
0x72: {  	_ =	shalt  }
0x73: {  	_ =	shalt  }
0x74: {  	_ =	shalt  }
0x75: {  	_ =	shalt  }
0x76: {  	_ =	shalt  }
0x77: {  	_ =	shalt  }
0x78: {  	_ =	shalt  }
0x79: {  	_ =	shalt  }
0x7a: {  	_ =	shalt  }
0x7b: {  	_ =	shalt  }
0x7c: {  	_ =	shalt  }
0x7d: {  	_ =	shalt  }
0x7e: {  	_ =	shalt  }
0x7f: {  	_ =	shalt  }
0x80: {  	_ =	shalt  }
0x81: {  	_ =	shalt  }
0x82: {  	_ =	shalt  }
0x83: {  	_ =	shalt  }
0x84: {  	_ =	shalt  }
0x85: {  	_ =	shalt  }
0x86: {  	_ =	shalt  }
0x87: {  	_ =	shalt  }
.Lfunc_end0:
.L_simem_size_0:
called_computation_lowered:
.L_overlay_start_0:
0x88: {  	s2 =	sld [smem:$0x3FD9]  }
0x89: {  	s3 =	sld [smem:$0x3FFE];
	_ =	sdelay $0x1  }
0x8a: {  	s1 =	srdreg.scid  }
0x8b: {  	s0 =	sand.u32 $0x1, s1  }
0x8c: {  	s14 =	sshll.u32 s0, $0xA;
	s2 =	sadd.s32 s3, s2  }
0x8d: {  	s2 =	sadd.s32 s2, s14  }
0x8e: {  	[smem:$0x3FC1] =	sst s2  }
0x8f: {  	_ = 	snop  }
0x90: {  	s2 =	sld [smem:$0x3FD0];
	_ =	sdelay $0x2  }
0x91: {  	s15 =	simm.s32 $0xA;
	s4 =	simm.s32 $0x10  }
0x92: {  	[smem:s4], [sflag:s15] =	dma.local [hbm:s2], $0x1  }
0x93: {  	_ =	swait.eq [sflag:s15], $0x1  }
0x94: {  	[sflag:s15] =	ssyncset.done $0x0  }
0x95: {  	s16 =	sld [smem:$0x10];
	[sflag:s15] =	ssyncadd.s32 $0xFFFFFFFF  }
0x96: {  	s17 =	sld [smem:$0x11];
	(tm) =	ssettm $0x1  }
0x97: {  	s18 =	sld [smem:$0x3FFB];
	_ =	sdelay $0x3  }
0x98: {  	_ =	strace s18  }
0x99: {  	s4 =	sld [smem:$0x3FFC];
	_ =	sdelay $0x3  }
0x9a: {  	_ =	strace s4  }
0x9b: {  	s4 =	sld [smem:$0x3FFD];
	_ =	sdelay $0x3  }
0x9c: {  	_ =	strace s4  }
0x9d: {  	_ =	strace $0x8FFFFFFF  }
0x9e: {  	s19 =	sld [smem:$0x3FDB];
	_ =	sdelay $0x1  }
0x9f: {  	s5 =	simm.s32 $_scs_section_size  }
0xa0: {  	s6 =	simm.s32 $_size__tile_overlayer_lowered;
	s7 =	simm.s32 $_tile_overlayer_lowered  }
0xa1: {  	s22 =	simm.s32 $0x1BFF;
	s21 =	sshll.u32 s7, $0x1;
	s4 =	sadd.s32 s5, s19  }
0xa2: {  	s8 =	simm.s32 $0x0;
	s20 =	sshll.u32 s6, $0x1;
	s6 =	sadd.s32 s21, s4  }
0xa3: {  	[timem:s8], [sflag:s22] =	dma.local [hbm:s6], s20  }
0xa4: {  	_ =	swait.ge [sflag:s22], s20  }
0xa5: {  	s5 =	ssub.s32 $0x0, s20;
	[sflag:s22] =	ssyncset.done $0x0  }
0xa6: {  	[sflag:s22] =	ssyncadd.s32 s5;
	_ =	sdelay $0x1  }
0xa7: {  	s23 =	simm.s32 $0x1B8B  }
0xa8: {  	_ =	swait.ge [sflag:s23], $0x1  }
0xa9: {  	[sflag:s23] =	ssyncset.done $0x0  }
0xaa: {  	s25 =	simm.s32 $0x1B8E;
	s24 =	sld [smem:$0x3FFE];
	[sflag:s23] =	ssyncadd.s32 $0xFFFFFFFF  }
0xab: {  	s26 =	simm.s32 $execute0_lowered;
	[smem:$0x3FD2] =	sst s25  }
0xac: {  	s6 =	sshll.u32 s26, $0x1;
	_ =	strace $0x80000046;
	[dreg:$0x1] =	wrdreg $0xFFFFFFFF  }
0xad: {  	s28 =	simm.s32 $_size_execute0_lowered;
	s4 =	sadd.s32 s4, s6;
	[dreg:$0x0] =	wrdreg $0x0  }
0xae: {  	s6 =	sshll.u32 s28, $0x1;
	[dreg:$0x2] =	wrdreg s4  }
0xaf: {  	[dreg:$0x3] =	wrdreg s6  }
0xb0: {  	[dreg:$0x4] =	wrdreg $0xC0  }
0xb1: {  	_ =	task [dreg:s8], $0x5FFFF  }
0xb2: {  	[dreg:$0x1] =	wrdreg $0xFFFFFFFF  }
0xb3: {  	[dreg:$0x0] =	wrdreg $0x60  }
0xb4: {  	[dreg:$0x2] =	wrdreg s16  }
0xb5: {  	[dreg:$0x3] =	wrdreg s24  }
0xb6: {  	[dreg:$0x4] =	wrdreg s17  }
0xb7: {  	[dreg:$0x5] =	wrdreg $0x82000  }
0xb8: {  	[dreg:$0x6] =	wrdreg $0x9  }
0xb9: {  	_ =	task.clear_ibuf [dreg:s8], $0x7FFFF;
	_ =	strace $0x90000046  }
0xba: {  	s29 =	simm.s32 $0x9;
	_ =	strace $0x80000048  }
0xbb: {  	_ =	swait.ge [sflag:s29], $0x1  }
0xbc: {  	[sflag:s29] =	ssyncadd.s32 $0xFFFFFFFF  }
0xbd: {  	_ =	strace $0x90000048  }
0xbe: {  	_ =	sfence  }
0xbf: {  	s30 =	sld [smem:$0x0];
	_ =	sdelay $0x2  }
0xc0: {  	s31 =	sshll.u32 s1, $0xD;
	s1 =	sshrl.u32 s1, $0x2  }
0xc1: {  	s3 =	sand.u32 $0x4000, s31;
	s1 =	sadd.s32 s1, s30  }
0xc2: {  	s0 =	sor.u32 s3, s0;
	s1 =	sshll.u32 s1, $0x11  }
0xc3: {  	s0 =	sor.u32 s1, s0  }
0xc4: {  	s0 =	sadd.s32 $0x8F2B, s0  }
0xc5: {  	[sflag:s0] =	ssyncadd.remote.s32 $0x1  }
0xc6: {  	_ =	sfence.sel $0xFFFF  }
0xc7: {  	[dreg:$0x0] =	wrdreg $0xFFFFFFFF;
	(pc) =	sbr.abs _section_cstart, $3  }
0xc8: {  	[dreg:$0x1] =	wrdreg $0xFFFFFFFF  }
0xc9: {  	_ =	task.clear_ibuf [dreg:s8], $0x2FFFF;
	_ =	strace $0x9FFFFFFF  }
0xca: {  	(tm) =	ssettm $0x7FFFFFFF  }
0xcb: {  	_ =	shalt  }
tec
execute0_lowered:
.L_overlay_start_1:
0x0: {  	(tag) =	ssettag $0x1  }
0x1: {  	s1 =	rddreg [dreg:$0x0]  }
0x2: {  	s0 =	rddreg [dreg:$0x1]  }
0x3: {  	s2 =	rddreg [dreg:$0x2]  }
0x4: {  	s3 =	rddreg [dreg:$0x3];
	s4 =	simm.s32 $0x0  }
0x5: {  	s5 =	srdreg.scid;
	s19 =	stileid.u32;
	s29 =	simm.s32 $0x200  }
0x6: {  	s30 =	simm.s32 $0xD;
	s31 =	simm.s32 $0x1;
	[smem:$0x7FF] =	sst s4  }
0x7: {  	s6 =	sadd.s32 $0x16200, s0;
	s7 =	sadd.s32 $0x3D400, s0;
	s10 =	smul.u32 $0x4F000, s19  }
0x8: {  	s8 =	sadd.s32 $0x2200, s0;
	s0 =	sadd.s32 $0x51F400, s0;
	s13 =	smul.u32 $0x13C00, s19  }
0x9: {  	s5 =	sand.u32 $0x1, s5;
	s28 =	smul.u32 $0x5000, s19;
	_ =	strace $0x80000047  }
0xa: {  	s9 =	ssub.s32 $0x2, s5;
	s12 =	sshll.u32 s5, $0x4;
	s5 =	smul.u32 $0x13C000, s5  }
0xb: {  	s11 =	sshrl.u32 s9, $0x1;
	s10 =	sshrl.u32 s10, $0x2;
	s21 =	sadd.s32 $0x4000, s13  }
0xc: {  	s22 =	sadd.s32 $0x8000, s13;
	s16 =	sadd.s32 $0xC000, s13;
	s17 =	sadd.s32 $0x10000, s13  }
0xd: {  	s9 =	ssub.s32 s9, s11;
	s11 =	sor.u32 s19, s12;
	s25 =	sadd.s32 s10, s3  }
0xe: {  	s14 =	sadd.s32 s21, s3;
	s23 =	sadd.s32 s22, s3;
	s24 =	sadd.s32 s16, s3  }
0xf: {  	s26 =	sadd.s32 s17, s3;
	s13 =	sadd.s32 s13, s5;
	s10 =	sadd.s32 s5, s21  }
0x10: {  	s12 =	sadd.s32 s5, s22;
	s16 =	sadd.s32 s5, s16;
	[dreg:$0x6] =	wrdreg s14  }
0x11: {  	s5 =	sadd.s32 s5, s17;
	s21 =	sshll.u32 s19, $0xB;
	[dreg:$0x7] =	wrdreg s23  }
0x12: {  	s17 =	simm.s32 $0x7;
	s19 =	simm.s32 $0x180;
	[dreg:$0x8] =	wrdreg s24  }
0x13: {  	[dreg:$0x9] =	wrdreg s26;
	s14 =	sshll.u32 s11, $0xB;
	s15 =	smul.u32 $0x50, s11  }
0x14: {  	s13 =	sshrl.u32 s13, $0x3;
	s10 =	sshrl.u32 s10, $0x3;
	s20 =	sshrl.u32 s16, $0x3  }
0x15: {  	s5 =	sshrl.u32 s5, $0x3;
	s23 =	sshrl.u32 s28, $0x3;
	p0 =	sgt.u32 s11, $0x3  }
0x16: {  	s26 =	smax.u32 s9, $0x1;
	s16 =	simm.s32 $0x4;
	[dreg:$0x5] =	wrdreg s25  }
0x17: {  	s18 =	sadd.s32 s14, s2;
	s13 =	sadd.s32 s0, s13;
	[dreg:$0x13] =	wrdreg s26  }
0x18: {  	s10 =	sadd.s32 s0, s10;
	s26 =	sadd.s32 s7, s14;
	[dreg:$0xa] =	wrdreg s13  }
0x19: {  	s28 =	sor.u32 $0x1FFF0000, s14;
	[dreg:$0xb] =	wrdreg s10;
	s13 =	sshrl.u32 s12, $0x3  }
0x1a: {  	s22 =	sadd.s32 $0x4D0000, s18;
	[dreg:$0x14] =	wrdreg s28;
	s18 =	simm.s32 $0x8  }
0x1b: {  	s10 =	sadd.s32 s0, s13;
	[dreg:$0xf] =	wrdreg s22;
	s22 =	simm.s32 $0x4200  }
0x1c: {  	[dreg:$0xc] =	wrdreg s10;
	s10 =	sadd.s32 s0, s20;
	s0 =	sadd.s32 s0, s5  }
0x1d: {  	s5 =	sadd.s32 s8, s23;
	s23 =	simm.s32 $0x100;
	[dreg:$0xd] =	wrdreg s10  }
.Ltmp0:
0x1e: {  	s20 =	simm.s32 $0x9;
	[dreg:$0xe] =	wrdreg s0;
	(pc) =	sbr.rel .LBB2_1-.Ltmp0, $4  }
0x1f: {  	s0 =	sor.u32 $0x4E0000, s21;
	s5 =	sadd.s32 $0x9C0, s5;
	s21 =	simm.s32 $0xA  }
0x20: {  	s10 =	simm.s32 $0x0;
	s24 =	sadd.s32 s7, s0;
	[dreg:$0x11] =	wrdreg s5  }
0x21: {  	s0 =	sadd.s32 s2, s0;
	s5 =	simm.s32 $0x80;
	[dreg:$0x10] =	wrdreg s24  }
0x22: {  	v0 =	vimm.f32 $0.0e+00;
	[dreg:$0x12] =	wrdreg s0;
	s0 =	simm.s32 $0x2;
	s24 =	simm.s32 $0x3  }
.LBB2_17:
0x23: {  	[bflag:$0x0] =	sbarrier.arrive $0xFFFF  }
0x24: {  	[tilespmem:s29], [sflag:$0xD] =	stream.linear.gather [spmem:s25], $0x4000, $0x38;
	[tilespmem:$0x1BE00] =	vst v63  }
0x25: {  	_ =	swait.ge [sflag:s30], $0x4000  }
0x26: {  	[sflag:s30] =	ssyncset.done $0x0  }
0x27: {  	s9 =	rddreg [dreg:$0xa];
	[sflag:s30] =	ssyncadd.s32 $0xFFFFC000  }
0x28: {  	[hbm4b:s9+s4] =	stream.linear.scatter [tilespmem:s29], [sflag:$0xD], $0x4000, $0x38;
	[tilespmem:$0x1BE00] =	vst v63  }
0x29: {  	_ =	swait.ge [sflag:s30], $0x4000  }
0x2a: {  	[sflag:s30] =	ssyncset.done $0x0  }
0x2b: {  	s28 =	rddreg [dreg:$0x6];
	[sflag:s30] =	ssyncadd.s32 $0xFFFFC000  }
0x2c: {  	[tilespmem:s29], [sflag:$0xD] =	stream.linear.gather [spmem:s28], $0x4000, $0x38;
	[tilespmem:$0x1BE00] =	vst v63  }
0x2d: {  	_ =	swait.ge [sflag:s30], $0x4000  }
0x2e: {  	[sflag:s30] =	ssyncset.done $0x0  }
0x2f: {  	s11 =	rddreg [dreg:$0xb];
	[sflag:s30] =	ssyncadd.s32 $0xFFFFC000  }
0x30: {  	[hbm4b:s11+s4] =	stream.linear.scatter [tilespmem:s29], [sflag:$0xD], $0x4000, $0x38;
	[tilespmem:$0x1BE00] =	vst v63  }
0x31: {  	_ =	swait.ge [sflag:s30], $0x4000  }
0x32: {  	[sflag:s30] =	ssyncset.done $0x0  }
0x33: {  	s12 =	rddreg [dreg:$0x7];
	[sflag:s30] =	ssyncadd.s32 $0xFFFFC000  }
0x34: {  	[tilespmem:s29], [sflag:$0xD] =	stream.linear.gather [spmem:s12], $0x4000, $0x38;
	[tilespmem:$0x1BE00] =	vst v63  }
0x35: {  	_ =	swait.ge [sflag:s30], $0x4000  }
0x36: {  	[sflag:s30] =	ssyncset.done $0x0  }
0x37: {  	s13 =	rddreg [dreg:$0xc];
	[sflag:s30] =	ssyncadd.s32 $0xFFFFC000  }
0x38: {  	[hbm4b:s13+s4] =	stream.linear.scatter [tilespmem:s29], [sflag:$0xD], $0x4000, $0x38;
	[tilespmem:$0x1BE00] =	vst v63  }
0x39: {  	_ =	swait.ge [sflag:s30], $0x4000  }
0x3a: {  	[sflag:s30] =	ssyncset.done $0x0  }
0x3b: {  	s28 =	rddreg [dreg:$0x8];
	[sflag:s30] =	ssyncadd.s32 $0xFFFFC000  }
0x3c: {  	[tilespmem:s29], [sflag:$0xD] =	stream.linear.gather [spmem:s28], $0x4000, $0x38;
	[tilespmem:$0x1BE00] =	vst v63  }
0x3d: {  	_ =	swait.ge [sflag:s30], $0x4000  }
0x3e: {  	[sflag:s30] =	ssyncset.done $0x0  }
0x3f: {  	s11 =	rddreg [dreg:$0xd];
	[sflag:s30] =	ssyncadd.s32 $0xFFFFC000  }
0x40: {  	[hbm4b:s11+s4] =	stream.linear.scatter [tilespmem:s29], [sflag:$0xD], $0x4000, $0x38;
	[tilespmem:$0x1BE00] =	vst v63  }
0x41: {  	_ =	swait.ge [sflag:s30], $0x4000  }
0x42: {  	[sflag:s30] =	ssyncset.done $0x0  }
0x43: {  	s12 =	rddreg [dreg:$0x9];
	[sflag:s30] =	ssyncadd.s32 $0xFFFFC000  }
0x44: {  	[tilespmem:s29], [sflag:$0xD] =	stream.linear.gather [spmem:s12], $0x3C00, $0x38;
	[tilespmem:$0x1BE00] =	vst v63  }
0x45: {  	_ =	swait.ge [sflag:s30], $0x3C00  }
0x46: {  	[sflag:s30] =	ssyncset.done $0x0  }
0x47: {  	s13 =	rddreg [dreg:$0xe];
	[sflag:s30] =	ssyncadd.s32 $0xFFFFC400  }
0x48: {  	[hbm4b:s13+s4] =	stream.linear.scatter [tilespmem:s29], [sflag:$0xD], $0x3C00, $0x38;
	[tilespmem:$0x1BE00] =	vst v63  }
0x49: {  	_ =	swait.ge [sflag:s30], $0x3C00  }
0x4a: {  	s10 =	sadd.s32 $0x1, s10;
	s28 =	rddreg [dreg:$0x13]  }
0x4b: {  	p1 =	sne.s32 s10, s28  }
.Ltmp1:
0x4c: {  	_ = 	snop;
	(pc) =	sbr.rel @!p1 .LBB2_18-.Ltmp1, $3  }
0x4d: {  	_ =	sdelay $0x1  }
0x4e: {  	[sflag:s30] =	ssyncset.done $0x0  }
0x4f: {  	[sflag:s30] =	ssyncadd.s32 $0xFFFFC400  }
.LBB2_1:
0x50: {  	[dreg:$0x15] =	wrdreg s10;
	s9 =	simm.s32 $0x0;
	s10 =	simm.s32 $0x200  }
.LBB2_2:
0x51: {  	p1 =	sne.s32 s10, $0xFE00;
	[tilespmem:s9+$0x270] =	vst v0  }
0x52: {  	[tilespmem:s9+$0x200] =	vst v0  }
0x53: {  	[tilespmem:s9+$0x210] =	vst v0  }
.Ltmp2:
0x54: {  	[tilespmem:s9+$0x220] =	vst v0;
	(pc) =	sbr.rel @p1 .LBB2_2-.Ltmp2, $4  }
0x55: {  	[tilespmem:s9+$0x230] =	vst v0  }
0x56: {  	[tilespmem:s9+$0x240] =	vst v0  }
0x57: {  	[tilespmem:s9+$0x250] =	vst v0  }
0x58: {  	[tilespmem:s9+$0x260] =	vst v0;
	s9 =	sshra.s32 s10, $0x2;
	s10 =	sadd.s32 $0x200, s10  }
0x59: {  	[tilespmem:s9+$0x270] =	vst v0  }
0x5a: {  	[tilespmem:s9+$0x200] =	vst v0  }
0x5b: {  	[tilespmem:s9+$0x210] =	vst v0  }
0x5c: {  	[tilespmem:s9+$0x220] =	vst v0  }
0x5d: {  	[tilespmem:s9+$0x230] =	vst v0  }
0x5e: {  	[tilespmem:s9+$0x240] =	vst v0  }
0x5f: {  	[tilespmem:s9+$0x250] =	vst v0  }
0x60: {  	[tilespmem:s9+$0x260] =	vst v0  }
0x61: {  	[spmem:s25] =	stream.linear.scatter [tilespmem:s29], [sflag:$0xD], $0x4000, $0x38;
	[tilespmem:$0x1BE00] =	vst v63  }
0x62: {  	_ =	swait.ge [sflag:s30], $0x4000  }
0x63: {  	[sflag:s30] =	ssyncset.done $0x0  }
0x64: {  	s12 =	rddreg [dreg:$0x6];
	[sflag:s30] =	ssyncadd.s32 $0xFFFFC000  }
0x65: {  	[spmem:s12] =	stream.linear.scatter [tilespmem:s29], [sflag:$0xD], $0x4000, $0x38;
	[tilespmem:$0x1BE00] =	vst v63  }
0x66: {  	_ =	swait.ge [sflag:s30], $0x4000  }
0x67: {  	[sflag:s30] =	ssyncset.done $0x0  }
0x68: {  	s13 =	rddreg [dreg:$0x7];
	[sflag:s30] =	ssyncadd.s32 $0xFFFFC000  }
0x69: {  	[spmem:s13] =	stream.linear.scatter [tilespmem:s29], [sflag:$0xD], $0x4000, $0x38;
	[tilespmem:$0x1BE00] =	vst v63  }
0x6a: {  	_ =	swait.ge [sflag:s30], $0x4000  }
0x6b: {  	[sflag:s30] =	ssyncset.done $0x0  }
0x6c: {  	s25 =	rddreg [dreg:$0x8];
	[sflag:s30] =	ssyncadd.s32 $0xFFFFC000  }
0x6d: {  	[spmem:s25] =	stream.linear.scatter [tilespmem:s29], [sflag:$0xD], $0x4000, $0x38;
	[tilespmem:$0x1BE00] =	vst v63  }
0x6e: {  	_ =	swait.ge [sflag:s30], $0x4000  }
0x6f: {  	[sflag:s30] =	ssyncset.done $0x0  }
0x70: {  	s28 =	rddreg [dreg:$0x9];
	[sflag:s30] =	ssyncadd.s32 $0xFFFFC000  }
0x71: {  	[spmem:s28] =	stream.linear.scatter [tilespmem:s29], [sflag:$0xD], $0x3C00, $0x38;
	[tilespmem:$0x1BE00] =	vst v63  }
0x72: {  	_ =	swait.ge [sflag:s30], $0x3C00  }
0x73: {  	[sflag:s30] =	ssyncset.done $0x0  }
0x74: {  	[sflag:s30] =	ssyncadd.s32 $0xFFFFC400  }
0x75: {  	s11 =	simm.s32 $0x0;
	[bflag:$0x0] =	sbarrier.arrive $0xFFFF  }
.LBB2_4:
0x76: {  	p1 =	seq.s32 s11, $0x0  }
0x77: {  	s9 =	simm.s32 @!p1 $0x5  }
0x78: {  	_ =	swait.ge @!p1 [sflag:s9], $0x4000  }
0x79: {  	[sflag:s9] =	ssyncset.done @!p1 $0x0  }
0x7a: {  	s25 =	sshll.u32 s11, $0x11;
	[sflag:s9] =	ssyncadd.s32 @!p1 $0xFFFFC000;
	s9 =	simm.s32 @!p1 $0x6  }
0x7b: {  	s13 =	sshll.u32 s11, $0x1;
	s12 =	sor.u32 s14, s25;
	_ =	swait.ge @!p1 [sflag:s9], $0x4000  }
.Ltmp3:
0x7c: {  	s28 =	sadd.s32 s15, s13;
	[sflag:s9] =	ssyncset.done @!p1 $0x0;
	(pc) =	sbr.rel @p1 .LBB2_8-.Ltmp3, $4  }
0x7d: {  	s10 =	sadd.s32 s7, s12;
	[sflag:s9] =	ssyncadd.s32 @!p1 $0xFFFFC000;
	s9 =	sshll.u32 s28, $0x5  }
0x7e: {  	[tilespmem:s29], [sflag:$0x1] =	stream.linear.gather [hbm4b:s10+s4], $0x4000, $0x38;
	[tilespmem:$0x1BE00] =	vst v63  }
0x7f: {  	s9 =	sadd.s32 s8, s9  }
0x80: {  	[tilespmem:s4], [sflag:$0x2] =	stream.linear.gather [hbm4b:s9+s4], $0x100, $0x38;
	[tilespmem:$0x1BE00] =	vst v63  }
0x81: {  	_ =	swait.ge [sflag:s20], $0x4000  }
0x82: {  	[sflag:s20] =	ssyncset.done $0x0  }
0x83: {  	[sflag:s20] =	ssyncadd.s32 $0xFFFFC000  }
0x84: {  	_ =	swait.ge [sflag:s21], $0x4000  }
0x85: {  	[sflag:s21] =	ssyncset.done $0x0  }
0x86: {  	s9 =	simm.s32 $0x0;
	[sflag:s21] =	ssyncadd.s32 $0xFFFFC000  }
0x87: {  	v2 =	vld [tilespmem:s9+$0x4270]  }
0x88: {  	v5 =	vld [tilespmem:s9+$0x4200]  }
0x89: {  	v6 =	vld [tilespmem:s9+$0x4210]  }
0x8a: {  	v4 =	vld [tilespmem:s9+$0x4220]  }
0x8b: {  	v3 =	vld [tilespmem:s9+$0x4230]  }
0x8c: {  	v1 =	vld [tilespmem:s9+$0x4240];
	v7 =	vmax.f32 v2, $0.0e+00  }
0x8d: {  	v2 =	vld [tilespmem:s9+$0x4250];
	v5 =	vmax.f32 v5, $0.0e+00;
	[tilespmem:s9+$0x4270] =	vst v7  }
0x8e: {  	s10 =	simm.s32 $0x80;
	s28 =	simm.s32 $0x400;
	v6 =	vmax.f32 v6, $0.0e+00;
	[tilespmem:s9+$0x4200] =	vst v5;
	v5 =	vld [tilespmem:s9+$0x4260]  }
.LBB2_6:
0x8f: {  	p2 =	sne.s32 s28, $0xFE00;
	v7 =	vld [tilespmem:s10+$0x4270];
	[tilespmem:s9+$0x4210] =	vst v6;
	v4 =	vmax.f32 v4, $0.0e+00  }
0x90: {  	v6 =	vld [tilespmem:s10+$0x4200];
	[tilespmem:s9+$0x4220] =	vst v4;
	v3 =	vmax.f32 v3, $0.0e+00  }
0x91: {  	v8 =	vld [tilespmem:s10+$0x4210];
	[tilespmem:s9+$0x4230] =	vst v3;
	v1 =	vmax.f32 v1, $0.0e+00  }
.Ltmp4:
0x92: {  	v4 =	vld [tilespmem:s10+$0x4220];
	[tilespmem:s9+$0x4240] =	vst v1;
	v1 =	vmax.f32 v2, $0.0e+00;
	(pc) =	sbr.rel @p2 .LBB2_6-.Ltmp4, $4  }
0x93: {  	v3 =	vld [tilespmem:s10+$0x4230];
	[tilespmem:s9+$0x4250] =	vst v1;
	v2 =	vmax.f32 v5, $0.0e+00  }
0x94: {  	v1 =	vld [tilespmem:s10+$0x4240];
	v5 =	vmax.f32 v7, $0.0e+00;
	[tilespmem:s9+$0x4260] =	vst v2;
	s9 =	smov.u32 s10  }
0x95: {  	v6 =	vmax.f32 v6, $0.0e+00;
	v2 =	vld [tilespmem:s9+$0x4250];
	[tilespmem:s9+$0x4270] =	vst v5  }
0x96: {  	s10 =	sshra.s32 s28, $0x2;
	s28 =	sadd.s32 $0x200, s28;
	[tilespmem:s9+$0x4200] =	vst v6;
	v6 =	vmax.f32 v8, $0.0e+00;
	v5 =	vld [tilespmem:s9+$0x4260]  }
0x97: {  	v7 =	vld [tilespmem:s10+$0x4270];
	[tilespmem:s9+$0x4210] =	vst v6;
	v4 =	vmax.f32 v4, $0.0e+00  }
0x98: {  	v8 =	vld [tilespmem:s10+$0x4200];
	[tilespmem:s9+$0x4220] =	vst v4;
	v3 =	vmax.f32 v3, $0.0e+00  }
0x99: {  	v60 =	vld [tilespmem:s10+$0x4210];
	[tilespmem:s9+$0x4230] =	vst v3;
	v1 =	vmax.f32 v1, $0.0e+00  }
0x9a: {  	v61 =	vld [tilespmem:s10+$0x4220];
	[tilespmem:s9+$0x4240] =	vst v1;
	v1 =	vmax.f32 v2, $0.0e+00  }
0x9b: {  	v3 =	vld [tilespmem:s10+$0x4230];
	[tilespmem:s9+$0x4250] =	vst v1;
	v5 =	vmax.f32 v5, $0.0e+00  }
0x9c: {  	v2 =	vld [tilespmem:s10+$0x4240];
	v1 =	vmax.f32 v7, $0.0e+00;
	[tilespmem:s9+$0x4260] =	vst v5  }
0x9d: {  	[tilespmem:s10+$0x4270] =	vst v1;
	v1 =	vmax.f32 v8, $0.0e+00  }
0x9e: {  	[tilespmem:s10+$0x4200] =	vst v1;
	v1 =	vmax.f32 v60, $0.0e+00  }
0x9f: {  	v62 =	vld [tilespmem:s10+$0x4250];
	[tilespmem:s10+$0x4210] =	vst v1;
	v1 =	vmax.f32 v61, $0.0e+00  }
0xa0: {  	v63 =	vld [tilespmem:s10+$0x4260];
	[tilespmem:s10+$0x4220] =	vst v1;
	v1 =	vmax.f32 v3, $0.0e+00  }
0xa1: {  	[tilespmem:s10+$0x4230] =	vst v1;
	v1 =	vmax.f32 v2, $0.0e+00  }
0xa2: {  	[tilespmem:s10+$0x4240] =	vst v1  }
0xa3: {  	s9 =	rddreg [dreg:$0x14]  }
0xa4: {  	v1 =	vmax.f32 v62, $0.0e+00;
	s9 =	sadd.s32 s9, s25  }
0xa5: {  	[tilespmem:s10+$0x4250] =	vst v1;
	v1 =	vmax.f32 v63, $0.0e+00;
	s9 =	sand.u32 $0x1FFFF800, s9  }
0xa6: {  	[tilespmem:s10+$0x4260] =	vst v1;
	s9 =	sadd.s32 s2, s9  }
0xa7: {  	[hbm4b:s9+s4] =	stream.linear.scatter [tilespmem:s22], [sflag:$0xB], $0x4000, $0x38;
	[tilespmem:$0x1BE00] =	vst v63  }
0xa8: {  	_ = 	snop  }
0xa9: {  	[spmem:s3] =	stream.indirect.scatter.add.f32 [tilespmem:s22], [sflag:$0xC], $0x80, s19, s5, $0xb8;
	[tilespmem:$0x1BE00] =	vst v63  }
.LBB2_8:
0xaa: {  	_ =	swait.ge [sflag:s31], $0x4000  }
0xab: {  	[sflag:s31] =	ssyncset.done $0x0  }
0xac: {  	[sflag:s31] =	ssyncadd.s32 $0xFFFFC000  }
0xad: {  	_ =	swait.ge [sflag:s0], $0x100  }
0xae: {  	[sflag:s0] =	ssyncset.done $0x0  }
0xaf: {  	[sflag:s0] =	ssyncadd.s32 $0xFFFFFF00  }
0xb0: {  	[tilespmem:s29], [sflag:$0x3] =	stream.indirect.gather.add.f32 [hbm:s1], $0x80, s4, s5, $0xb8;
	[tilespmem:$0x1BE00] =	vst v63  }
0xb1: {  	s9 =	simm.s32 @!p1 $0xB  }
0xb2: {  	[tilespmem:s29], [sflag:$0x4] =	stream.indirect.gather.add.f32 [hbm:s6], $0x80, s5, s5, $0xb8;
	[tilespmem:$0x1BE00] =	vst v63  }
0xb3: {  	_ =	swait.ge @!p1 [sflag:s9], $0x4000  }
0xb4: {  	[sflag:s9] =	ssyncset.done @!p1 $0x0  }
0xb5: {  	[sflag:s9] =	ssyncadd.s32 @!p1 $0xFFFFC000;
	s9 =	simm.s32 @!p1 $0xC  }
0xb6: {  	s10 =	sor.u32 $0x1, s13;
	s25 =	simm.s32 $0x0;
	_ =	swait.ge @!p1 [sflag:s9], $0x4000  }
0xb7: {  	s13 =	sshll.u32 s10, $0x10;
	s28 =	sadd.s32 s15, s10;
	[sflag:s9] =	ssyncset.done @!p1 $0x0  }
0xb8: {  	s13 =	sadd.s32 s13, s26;
	[sflag:s9] =	ssyncadd.s32 @!p1 $0xFFFFC000;
	s9 =	sshll.u32 s28, $0x5  }
0xb9: {  	[tilespmem:s22], [sflag:$0x7] =	stream.linear.gather [hbm4b:s13+s25], $0x4000, $0x38;
	[tilespmem:$0x1BE00] =	vst v63  }
0xba: {  	s9 =	sand.u32 $0x1FFFFFE0, s9  }
0xbb: {  	s9 =	sadd.s32 s8, s9  }
0xbc: {  	[tilespmem:s23], [sflag:$0x8] =	stream.linear.gather [hbm4b:s9+s25], $0x100, $0x38;
	[tilespmem:$0x1BE00] =	vst v63  }
0xbd: {  	_ =	swait.ge [sflag:s24], $0x4000  }
0xbe: {  	[sflag:s24] =	ssyncset.done $0x0  }
0xbf: {  	[sflag:s24] =	ssyncadd.s32 $0xFFFFC000  }
0xc0: {  	_ =	swait.ge [sflag:s16], $0x4000  }
0xc1: {  	[sflag:s16] =	ssyncset.done $0x0  }
0xc2: {  	s9 =	simm.s32 $0x0;
	[sflag:s16] =	ssyncadd.s32 $0xFFFFC000  }
0xc3: {  	v2 =	vld [tilespmem:s9+$0x270]  }
0xc4: {  	v5 =	vld [tilespmem:s9+$0x200]  }
0xc5: {  	v6 =	vld [tilespmem:s9+$0x210]  }
0xc6: {  	v4 =	vld [tilespmem:s9+$0x220]  }
0xc7: {  	v3 =	vld [tilespmem:s9+$0x230]  }
0xc8: {  	v1 =	vld [tilespmem:s9+$0x240];
	v7 =	vmax.f32 v2, $0.0e+00  }
0xc9: {  	v2 =	vld [tilespmem:s9+$0x250];
	v5 =	vmax.f32 v5, $0.0e+00;
	[tilespmem:s9+$0x270] =	vst v7  }
0xca: {  	s10 =	simm.s32 $0x80;
	s13 =	simm.s32 $0x400;
	v6 =	vmax.f32 v6, $0.0e+00;
	[tilespmem:s9+$0x200] =	vst v5;
	v5 =	vld [tilespmem:s9+$0x260]  }
.LBB2_9:
0xcb: {  	p1 =	sne.s32 s13, $0xFE00;
	v7 =	vld [tilespmem:s10+$0x270];
	[tilespmem:s9+$0x210] =	vst v6;
	v4 =	vmax.f32 v4, $0.0e+00  }
0xcc: {  	v6 =	vld [tilespmem:s10+$0x200];
	[tilespmem:s9+$0x220] =	vst v4;
	v3 =	vmax.f32 v3, $0.0e+00  }
0xcd: {  	v8 =	vld [tilespmem:s10+$0x210];
	[tilespmem:s9+$0x230] =	vst v3;
	v1 =	vmax.f32 v1, $0.0e+00  }
.Ltmp5:
0xce: {  	v4 =	vld [tilespmem:s10+$0x220];
	[tilespmem:s9+$0x240] =	vst v1;
	v1 =	vmax.f32 v2, $0.0e+00;
	(pc) =	sbr.rel @p1 .LBB2_9-.Ltmp5, $4  }
0xcf: {  	v3 =	vld [tilespmem:s10+$0x230];
	[tilespmem:s9+$0x250] =	vst v1;
	v2 =	vmax.f32 v5, $0.0e+00  }
0xd0: {  	v1 =	vld [tilespmem:s10+$0x240];
	v5 =	vmax.f32 v7, $0.0e+00;
	[tilespmem:s9+$0x260] =	vst v2;
	s9 =	smov.u32 s10  }
0xd1: {  	v6 =	vmax.f32 v6, $0.0e+00;
	v2 =	vld [tilespmem:s9+$0x250];
	[tilespmem:s9+$0x270] =	vst v5  }
0xd2: {  	s10 =	sshra.s32 s13, $0x2;
	s13 =	sadd.s32 $0x200, s13;
	[tilespmem:s9+$0x200] =	vst v6;
	v6 =	vmax.f32 v8, $0.0e+00;
	v5 =	vld [tilespmem:s9+$0x260]  }
0xd3: {  	v7 =	vld [tilespmem:s10+$0x270];
	[tilespmem:s9+$0x210] =	vst v6;
	v4 =	vmax.f32 v4, $0.0e+00  }
0xd4: {  	v8 =	vld [tilespmem:s10+$0x200];
	[tilespmem:s9+$0x220] =	vst v4;
	v3 =	vmax.f32 v3, $0.0e+00  }
0xd5: {  	v60 =	vld [tilespmem:s10+$0x210];
	[tilespmem:s9+$0x230] =	vst v3;
	v1 =	vmax.f32 v1, $0.0e+00  }
0xd6: {  	v61 =	vld [tilespmem:s10+$0x220];
	[tilespmem:s9+$0x240] =	vst v1;
	v1 =	vmax.f32 v2, $0.0e+00  }
0xd7: {  	v3 =	vld [tilespmem:s10+$0x230];
	[tilespmem:s9+$0x250] =	vst v1;
	v5 =	vmax.f32 v5, $0.0e+00  }
0xd8: {  	v2 =	vld [tilespmem:s10+$0x240];
	v1 =	vmax.f32 v7, $0.0e+00;
	[tilespmem:s9+$0x260] =	vst v5  }
0xd9: {  	v62 =	vld [tilespmem:s10+$0x250];
	[tilespmem:s10+$0x270] =	vst v1;
	v1 =	vmax.f32 v8, $0.0e+00  }
0xda: {  	v63 =	vld [tilespmem:s10+$0x260];
	[tilespmem:s10+$0x200] =	vst v1;
	v1 =	vmax.f32 v60, $0.0e+00  }
0xdb: {  	[tilespmem:s10+$0x210] =	vst v1;
	v1 =	vmax.f32 v61, $0.0e+00  }
0xdc: {  	[tilespmem:s10+$0x220] =	vst v1;
	v1 =	vmax.f32 v3, $0.0e+00  }
0xdd: {  	[tilespmem:s10+$0x230] =	vst v1;
	v1 =	vmax.f32 v2, $0.0e+00  }
0xde: {  	[tilespmem:s10+$0x240] =	vst v1;
	v1 =	vmax.f32 v62, $0.0e+00  }
0xdf: {  	[tilespmem:s10+$0x250] =	vst v1;
	v1 =	vmax.f32 v63, $0.0e+00  }
0xe0: {  	s28 =	sadd.s32 s2, s12;
	[tilespmem:s10+$0x260] =	vst v1  }
0xe1: {  	[hbm4b:s28+s4] =	stream.linear.scatter [tilespmem:s29], [sflag:$0x5], $0x4000, $0x38;
	[tilespmem:$0x1BE00] =	vst v63  }
0xe2: {  	_ = 	snop  }
0xe3: {  	[spmem:s3] =	stream.indirect.scatter.add.f32 [tilespmem:s29], [sflag:$0x6], $0x80, s5, s5, $0xb8;
	[tilespmem:$0x1BE00] =	vst v63  }
0xe4: {  	_ =	swait.ge [sflag:s17], $0x4000  }
0xe5: {  	[sflag:s17] =	ssyncset.done $0x0  }
0xe6: {  	s11 =	sadd.s32 $0x1, s11;
	[sflag:s17] =	ssyncadd.s32 $0xFFFFC000  }
0xe7: {  	p1 =	sne.s32 s11, $0x27;
	_ =	swait.ge [sflag:s18], $0x100  }
.Ltmp6:
0xe8: {  	[sflag:s18] =	ssyncset.done $0x0;
	(pc) =	sbr.rel @p1 .LBB2_4-.Ltmp6, $4  }
0xe9: {  	[sflag:s18] =	ssyncadd.s32 $0xFFFFFF00  }
0xea: {  	[tilespmem:s22], [sflag:$0x9] =	stream.indirect.gather.add.f32 [hbm:s1], $0x80, s23, s5, $0xb8;
	[tilespmem:$0x1BE00] =	vst v63  }
0xeb: {  	_ = 	snop  }
0xec: {  	[tilespmem:s22], [sflag:$0xA] =	stream.indirect.gather.add.f32 [hbm:s6], $0x80, s19, s5, $0xb8;
	[tilespmem:$0x1BE00] =	vst v63  }
0xed: {  	_ =	swait.ge [sflag:s20], $0x4000  }
0xee: {  	[sflag:s20] =	ssyncset.done $0x0  }
0xef: {  	[sflag:s20] =	ssyncadd.s32 $0xFFFFC000  }
0xf0: {  	_ =	swait.ge [sflag:s21], $0x4000  }
0xf1: {  	[sflag:s21] =	ssyncset.done $0x0  }
0xf2: {  	s9 =	simm.s32 $0x0;
	[sflag:s21] =	ssyncadd.s32 $0xFFFFC000  }
0xf3: {  	v2 =	vld [tilespmem:s9+$0x4270]  }
0xf4: {  	v5 =	vld [tilespmem:s9+$0x4200]  }
0xf5: {  	v6 =	vld [tilespmem:s9+$0x4210]  }
0xf6: {  	v4 =	vld [tilespmem:s9+$0x4220]  }
0xf7: {  	v3 =	vld [tilespmem:s9+$0x4230]  }
0xf8: {  	v1 =	vld [tilespmem:s9+$0x4240];
	v7 =	vmax.f32 v2, $0.0e+00  }
0xf9: {  	v2 =	vld [tilespmem:s9+$0x4250];
	v5 =	vmax.f32 v5, $0.0e+00;
	[tilespmem:s9+$0x4270] =	vst v7  }
0xfa: {  	s10 =	simm.s32 $0x80;
	s11 =	simm.s32 $0x400;
	v6 =	vmax.f32 v6, $0.0e+00;
	[tilespmem:s9+$0x4200] =	vst v5;
	v5 =	vld [tilespmem:s9+$0x4260]  }
.LBB2_12:
0xfb: {  	p1 =	sne.s32 s11, $0xFE00;
	v7 =	vld [tilespmem:s10+$0x4270];
	[tilespmem:s9+$0x4210] =	vst v6;
	v4 =	vmax.f32 v4, $0.0e+00  }
0xfc: {  	v6 =	vld [tilespmem:s10+$0x4200];
	[tilespmem:s9+$0x4220] =	vst v4;
	v3 =	vmax.f32 v3, $0.0e+00  }
0xfd: {  	v8 =	vld [tilespmem:s10+$0x4210];
	[tilespmem:s9+$0x4230] =	vst v3;
	v1 =	vmax.f32 v1, $0.0e+00  }
.Ltmp7:
0xfe: {  	v4 =	vld [tilespmem:s10+$0x4220];
	[tilespmem:s9+$0x4240] =	vst v1;
	v1 =	vmax.f32 v2, $0.0e+00;
	(pc) =	sbr.rel @p1 .LBB2_12-.Ltmp7, $4  }
0xff: {  	v3 =	vld [tilespmem:s10+$0x4230];
	[tilespmem:s9+$0x4250] =	vst v1;
	v2 =	vmax.f32 v5, $0.0e+00  }
0x100: {  	v1 =	vld [tilespmem:s10+$0x4240];
	v5 =	vmax.f32 v7, $0.0e+00;
	[tilespmem:s9+$0x4260] =	vst v2;
	s9 =	smov.u32 s10  }
0x101: {  	v6 =	vmax.f32 v6, $0.0e+00;
	v2 =	vld [tilespmem:s9+$0x4250];
	[tilespmem:s9+$0x4270] =	vst v5  }
0x102: {  	s10 =	sshra.s32 s11, $0x2;
	s11 =	sadd.s32 $0x200, s11;
	[tilespmem:s9+$0x4200] =	vst v6;
	v6 =	vmax.f32 v8, $0.0e+00;
	v5 =	vld [tilespmem:s9+$0x4260]  }
0x103: {  	v7 =	vld [tilespmem:s10+$0x4270];
	[tilespmem:s9+$0x4210] =	vst v6;
	v4 =	vmax.f32 v4, $0.0e+00  }
0x104: {  	v8 =	vld [tilespmem:s10+$0x4200];
	[tilespmem:s9+$0x4220] =	vst v4;
	v3 =	vmax.f32 v3, $0.0e+00  }
0x105: {  	v60 =	vld [tilespmem:s10+$0x4210];
	[tilespmem:s9+$0x4230] =	vst v3;
	v1 =	vmax.f32 v1, $0.0e+00  }
0x106: {  	v61 =	vld [tilespmem:s10+$0x4220];
	[tilespmem:s9+$0x4240] =	vst v1;
	v1 =	vmax.f32 v2, $0.0e+00  }
0x107: {  	v3 =	vld [tilespmem:s10+$0x4230];
	[tilespmem:s9+$0x4250] =	vst v1;
	v5 =	vmax.f32 v5, $0.0e+00  }
0x108: {  	v2 =	vld [tilespmem:s10+$0x4240];
	v1 =	vmax.f32 v7, $0.0e+00;
	[tilespmem:s9+$0x4260] =	vst v5  }
0x109: {  	v62 =	vld [tilespmem:s10+$0x4250];
	[tilespmem:s10+$0x4270] =	vst v1;
	v1 =	vmax.f32 v8, $0.0e+00  }
0x10a: {  	v63 =	vld [tilespmem:s10+$0x4260];
	[tilespmem:s10+$0x4200] =	vst v1;
	v1 =	vmax.f32 v60, $0.0e+00  }
0x10b: {  	[tilespmem:s10+$0x4210] =	vst v1;
	v1 =	vmax.f32 v61, $0.0e+00  }
0x10c: {  	[tilespmem:s10+$0x4220] =	vst v1;
	v1 =	vmax.f32 v3, $0.0e+00  }
0x10d: {  	[tilespmem:s10+$0x4230] =	vst v1;
	v1 =	vmax.f32 v2, $0.0e+00  }
0x10e: {  	[tilespmem:s10+$0x4240] =	vst v1;
	v1 =	vmax.f32 v62, $0.0e+00  }
0x10f: {  	[tilespmem:s10+$0x4250] =	vst v1;
	v1 =	vmax.f32 v63, $0.0e+00  }
0x110: {  	[tilespmem:s10+$0x4260] =	vst v1  }
0x111: {  	s9 =	rddreg [dreg:$0xf]  }
0x112: {  	[hbm4b:s9+s4] =	stream.linear.scatter [tilespmem:s22], [sflag:$0xB], $0x4000, $0x38;
	[tilespmem:$0x1BE00] =	vst v63  }
0x113: {  	s12 =	simm.s32 $0x5  }
0x114: {  	[spmem:s3] =	stream.indirect.scatter.add.f32 [tilespmem:s22], [sflag:$0xC], $0x80, s19, s5, $0xb8;
	[tilespmem:$0x1BE00] =	vst v63  }
0x115: {  	_ =	swait.ge [sflag:s12], $0x4000  }
0x116: {  	[sflag:s12] =	ssyncset.done $0x0  }
0x117: {  	s13 =	simm.s32 $0x6;
	[sflag:s12] =	ssyncadd.s32 $0xFFFFC000  }
0x118: {  	_ =	swait.ge [sflag:s13], $0x4000  }
0x119: {  	[sflag:s13] =	ssyncset.done $0x0  }
0x11a: {  	s25 =	simm.s32 $0xB;
	[sflag:s13] =	ssyncadd.s32 $0xFFFFC000  }
0x11b: {  	_ =	swait.ge [sflag:s25], $0x4000  }
.Ltmp8:
0x11c: {  	[sflag:s25] =	ssyncset.done $0x0;
	(pc) =	sbr.rel @p0 .LBB2_17-.Ltmp8, $4  }
0x11d: {  	s28 =	simm.s32 $0xC;
	[sflag:s25] =	ssyncadd.s32 $0xFFFFC000  }
0x11e: {  	_ =	swait.ge [sflag:s28], $0x4000  }
0x11f: {  	[sflag:s28] =	ssyncset.done $0x0;
	s25 =	rddreg [dreg:$0x5]  }
0x120: {  	s10 =	rddreg [dreg:$0x15];
	[sflag:s28] =	ssyncadd.s32 $0xFFFFC000  }
0x121: {  	s9 =	simm.s32 $0x0;
	s10 =	rddreg [dreg:$0x10]  }
0x122: {  	[tilespmem:s29], [sflag:$0x1] =	stream.linear.gather [hbm4b:s10+s9], $0x4000, $0x38;
	[tilespmem:$0x1BE00] =	vst v63  }
0x123: {  	s28 =	rddreg [dreg:$0x11]  }
0x124: {  	[tilespmem:s9], [sflag:$0x2] =	stream.linear.gather [hbm4b:s28+s9], $0x100, $0x38;
	[tilespmem:$0x1BE00] =	vst v63  }
0x125: {  	_ =	swait.ge [sflag:s31], $0x4000  }
0x126: {  	[sflag:s31] =	ssyncset.done $0x0  }
0x127: {  	[sflag:s31] =	ssyncadd.s32 $0xFFFFC000  }
0x128: {  	_ =	swait.ge [sflag:s0], $0x100  }
0x129: {  	[sflag:s0] =	ssyncset.done $0x0  }
0x12a: {  	[sflag:s0] =	ssyncadd.s32 $0xFFFFFF00  }
0x12b: {  	[tilespmem:s29], [sflag:$0x3] =	stream.indirect.gather.add.f32 [hbm:s1], $0x80, s9, s5, $0xb8;
	[tilespmem:$0x1BE00] =	vst v63  }
0x12c: {  	_ = 	snop  }
0x12d: {  	[tilespmem:s29], [sflag:$0x4] =	stream.indirect.gather.add.f32 [hbm:s6], $0x80, s5, s5, $0xb8;
	[tilespmem:$0x1BE00] =	vst v63  }
0x12e: {  	_ =	swait.ge [sflag:s24], $0x4000  }
0x12f: {  	[sflag:s24] =	ssyncset.done $0x0  }
0x130: {  	[sflag:s24] =	ssyncadd.s32 $0xFFFFC000  }
0x131: {  	_ =	swait.ge [sflag:s16], $0x4000  }
0x132: {  	[sflag:s16] =	ssyncset.done $0x0  }
0x133: {  	s9 =	simm.s32 $0x0;
	[sflag:s16] =	ssyncadd.s32 $0xFFFFC000  }
0x134: {  	v2 =	vld [tilespmem:s9+$0x270]  }
0x135: {  	v5 =	vld [tilespmem:s9+$0x200]  }
0x136: {  	v6 =	vld [tilespmem:s9+$0x210]  }
0x137: {  	v4 =	vld [tilespmem:s9+$0x220]  }
0x138: {  	v3 =	vld [tilespmem:s9+$0x230]  }
0x139: {  	v1 =	vld [tilespmem:s9+$0x240];
	v7 =	vmax.f32 v2, $0.0e+00  }
0x13a: {  	v2 =	vld [tilespmem:s9+$0x250];
	v5 =	vmax.f32 v5, $0.0e+00;
	[tilespmem:s9+$0x270] =	vst v7  }
0x13b: {  	s11 =	simm.s32 $0x400;
	s10 =	simm.s32 $0x80;
	v6 =	vmax.f32 v6, $0.0e+00;
	[tilespmem:s9+$0x200] =	vst v5;
	v5 =	vld [tilespmem:s9+$0x260]  }
.LBB2_15:
0x13c: {  	p1 =	sne.s32 s11, $0xFE00;
	v7 =	vld [tilespmem:s10+$0x270];
	[tilespmem:s9+$0x210] =	vst v6;
	v4 =	vmax.f32 v4, $0.0e+00  }
0x13d: {  	v6 =	vld [tilespmem:s10+$0x200];
	[tilespmem:s9+$0x220] =	vst v4;
	v3 =	vmax.f32 v3, $0.0e+00  }
0x13e: {  	v8 =	vld [tilespmem:s10+$0x210];
	[tilespmem:s9+$0x230] =	vst v3;
	v1 =	vmax.f32 v1, $0.0e+00  }
.Ltmp9:
0x13f: {  	v4 =	vld [tilespmem:s10+$0x220];
	[tilespmem:s9+$0x240] =	vst v1;
	v1 =	vmax.f32 v2, $0.0e+00;
	(pc) =	sbr.rel @p1 .LBB2_15-.Ltmp9, $4  }
0x140: {  	v3 =	vld [tilespmem:s10+$0x230];
	[tilespmem:s9+$0x250] =	vst v1;
	v2 =	vmax.f32 v5, $0.0e+00  }
0x141: {  	v1 =	vld [tilespmem:s10+$0x240];
	v5 =	vmax.f32 v7, $0.0e+00;
	[tilespmem:s9+$0x260] =	vst v2;
	s9 =	smov.u32 s10  }
0x142: {  	v6 =	vmax.f32 v6, $0.0e+00;
	v2 =	vld [tilespmem:s9+$0x250];
	[tilespmem:s9+$0x270] =	vst v5  }
0x143: {  	s10 =	sshra.s32 s11, $0x2;
	s11 =	sadd.s32 $0x200, s11;
	[tilespmem:s9+$0x200] =	vst v6;
	v6 =	vmax.f32 v8, $0.0e+00;
	v5 =	vld [tilespmem:s9+$0x260]  }
0x144: {  	v7 =	vld [tilespmem:s10+$0x270];
	[tilespmem:s9+$0x210] =	vst v6;
	v4 =	vmax.f32 v4, $0.0e+00  }
0x145: {  	v8 =	vld [tilespmem:s10+$0x200];
	[tilespmem:s9+$0x220] =	vst v4;
	v3 =	vmax.f32 v3, $0.0e+00  }
0x146: {  	v60 =	vld [tilespmem:s10+$0x210];
	[tilespmem:s9+$0x230] =	vst v3;
	v1 =	vmax.f32 v1, $0.0e+00  }
0x147: {  	v61 =	vld [tilespmem:s10+$0x220];
	[tilespmem:s9+$0x240] =	vst v1;
	v1 =	vmax.f32 v2, $0.0e+00  }
0x148: {  	v3 =	vld [tilespmem:s10+$0x230];
	[tilespmem:s9+$0x250] =	vst v1;
	v5 =	vmax.f32 v5, $0.0e+00  }
0x149: {  	v2 =	vld [tilespmem:s10+$0x240];
	v1 =	vmax.f32 v7, $0.0e+00;
	[tilespmem:s9+$0x260] =	vst v5  }
0x14a: {  	v62 =	vld [tilespmem:s10+$0x250];
	[tilespmem:s10+$0x270] =	vst v1;
	v1 =	vmax.f32 v8, $0.0e+00  }
0x14b: {  	v63 =	vld [tilespmem:s10+$0x260];
	[tilespmem:s10+$0x200] =	vst v1;
	v1 =	vmax.f32 v60, $0.0e+00  }
0x14c: {  	[tilespmem:s10+$0x210] =	vst v1;
	v1 =	vmax.f32 v61, $0.0e+00  }
0x14d: {  	[tilespmem:s10+$0x220] =	vst v1;
	v1 =	vmax.f32 v3, $0.0e+00  }
0x14e: {  	[tilespmem:s10+$0x230] =	vst v1;
	v1 =	vmax.f32 v2, $0.0e+00  }
0x14f: {  	[tilespmem:s10+$0x240] =	vst v1;
	v1 =	vmax.f32 v62, $0.0e+00  }
0x150: {  	[tilespmem:s10+$0x250] =	vst v1;
	v1 =	vmax.f32 v63, $0.0e+00  }
0x151: {  	[tilespmem:s10+$0x260] =	vst v1  }
0x152: {  	s9 =	rddreg [dreg:$0x12]  }
0x153: {  	[hbm4b:s9+s4] =	stream.linear.scatter [tilespmem:s29], [sflag:$0x5], $0x4000, $0x38;
	[tilespmem:$0x1BE00] =	vst v63  }
0x154: {  	s13 =	simm.s32 $0x5  }
0x155: {  	[spmem:s3] =	stream.indirect.scatter.add.f32 [tilespmem:s29], [sflag:$0x6], $0x80, s5, s5, $0xb8;
	[tilespmem:$0x1BE00] =	vst v63  }
0x156: {  	_ =	swait.ge [sflag:s13], $0x4000  }
.Ltmp10:
0x157: {  	[sflag:s13] =	ssyncset.done $0x0;
	(pc) =	sbr.rel .LBB2_17-.Ltmp10, $4  }
0x158: {  	s28 =	simm.s32 $0x6;
	[sflag:s13] =	ssyncadd.s32 $0xFFFFC000  }
0x159: {  	_ =	swait.ge [sflag:s28], $0x4000  }
0x15a: {  	[sflag:s28] =	ssyncset.done $0x0  }
0x15b: {  	s10 =	rddreg [dreg:$0x15];
	[sflag:s28] =	ssyncadd.s32 $0xFFFFC000  }
.LBB2_18:
0x15c: {  	_ =	sfence.sel $0x180000  }
0x15d: {  	[bflag:$0x0] =	sbarrier.arrive $0xFFFF  }
0x15e: {  	_ =	strace $0x90000047  }
0x15f: {  	s0 =	stileid.u32;
	[bflag:$0x2] =	sbarrier.arrive $0xFFFF  }
0x160: {  	p0 =	sne.s32 s0, $0x0;
	s0 =	rddreg [dreg:$0x4]  }
0x161: {  	s0 =	sadd.s32 @!p0 $0x100000, s0  }
0x162: {  	[sflag:s0] =	ssyncadd.tile.s32 @!p0 $0x1;
	_ =	shalt  }
.Lfunc_end2:
_tile_overlayer_lowered:
.L_overlay_start_2:
0x163: {  	(tag) =	ssettag $0x2  }
0x164: {  	s0 =	rddreg [dreg:$0x0];
	s2 =	stileid.u32  }
0x165: {  	s1 =	rddreg [dreg:$0x1];
	p0 =	sne.s32 s2, $0x0  }
0x166: {  	s3 =	rddreg [dreg:$0x2];
	[bflag:$0x3] =	sbarrier.arrive $0xFFFF;
	s2 =	simm.s32 @!p0 $0x1C0D  }
0x167: {  	[timem:s3], [sflag:s2] =	dma.local @!p0 [hbm:s0], s1  }
0x168: {  	s0 =	simm.s32 @!p0 $0xD  }
0x169: {  	_ =	swait.ge @!p0 [sflag:s0], s1  }
0x16a: {  	s1 =	ssub.s32 @!p0 $0x0, s1;
	[sflag:s0] =	ssyncset.done @!p0 $0x0  }
0x16b: {  	[sflag:s0] =	ssyncadd.s32 @!p0 s1  }
0x16c: {  	[bflag:$0x3] =	sbarrier.arrive $0xFFFF  }
0x16d: {  	_ =	shalt  }

</sc_bundles>
